<compile_context>
chip_gen: v7x
topology: tpu7x:2x2x1
jax: 0.10.2.dev20260603
libtpu: 0.0.44.dev20260713+nightly
codegen_flags: <defaults>
</compile_context>

<pallas_src>
import functools

import jax
import jax.numpy as jnp
from jax import lax
from jax.experimental import pallas as pl
from jax.experimental.pallas import tpu as pltpu
from jax.experimental.pallas import tpu_sc as plsc

B = 8
N = 8192
G = 256
M = 32
TBL_W = 16
BIG = 1e30


def _fps_body(x_ref, y_ref, z_ref, cx_ref, cy_ref, cz_ref):
    x = x_ref[...]
    y = y_ref[...]
    z = z_ref[...]
    lane = lax.broadcasted_iota(jnp.int32, (B, N), 1)
    col = lax.broadcasted_iota(jnp.int32, (B, G), 1)

    def body(i, st):
        dist, far, cxs, cys, czs = st
        oh = lane == far
        cxi = jnp.sum(jnp.where(oh, x, 0.0), axis=1, keepdims=True)
        cyi = jnp.sum(jnp.where(oh, y, 0.0), axis=1, keepdims=True)
        czi = jnp.sum(jnp.where(oh, z, 0.0), axis=1, keepdims=True)
        sel = col == i
        cxs = jnp.where(sel, cxi, cxs)
        cys = jnp.where(sel, cyi, cys)
        czs = jnp.where(sel, czi, czs)
        d = (x - cxi) ** 2 + (y - cyi) ** 2 + (z - czi) ** 2
        dist = jnp.minimum(dist, d)
        far = jnp.argmax(dist, axis=1).astype(jnp.int32)[:, None]
        return (dist, far, cxs, cys, czs)

    init = (
        jnp.full((B, N), 1e10, jnp.float32),
        jnp.zeros((B, 1), jnp.int32),
        jnp.zeros((B, G), jnp.float32),
        jnp.zeros((B, G), jnp.float32),
        jnp.zeros((B, G), jnp.float32),
    )
    _, _, cxs, cys, czs = lax.fori_loop(0, G, body, init)
    cx_ref[...] = cxs
    cy_ref[...] = cys
    cz_ref[...] = czs


def _fps(x, y, z):
    out = jax.ShapeDtypeStruct((B, G), jnp.float32)
    return pl.pallas_call(_fps_body, out_shape=(out, out, out))(x, y, z)


_FW = 512
_NSL = N // _FW
_DEPTH = 4


def _topk_body(x_ref, y_ref, z_ref, cxt_ref, cyt_ref, czt_ref, idx_ref):
    px = x_ref[0]
    py = y_ref[0]
    pz = z_ref[0]
    cxt = cxt_ref[0]
    cyt = cyt_ref[0]
    czt = czt_ref[0]
    psq = px * px + py * py + pz * pz
    csq = cxt * cxt + cyt * cyt + czt * czt
    cmat = jnp.concatenate([cxt, cyt, czt], axis=1)
    lane = lax.broadcasted_iota(jnp.int32, (G, _FW), 1)

    m1 = jnp.full((G, _FW), BIG, jnp.float32)
    m2, m3, m4 = m1, m1, m1
    zi = jnp.zeros((G, _FW), jnp.int32)
    a1, a2, a3, a4 = zi, zi, zi, zi
    for k in range(_NSL):
        sl = slice(k * _FW, (k + 1) * _FW)
        pm = jnp.concatenate([px[:, sl], py[:, sl], pz[:, sl]], axis=0)
        dot = jax.lax.dot_general(
            cmat,
            pm,
            (((1,), (0,)), ((), ())),
            preferred_element_type=jnp.float32,
            precision=jax.lax.Precision.DEFAULT,
        )
        s = -2.0 * dot + csq + psq[:, sl]
        ik = lane + k * _FW
        b1 = s < m1
        b2 = s < m2
        b3 = s < m3
        b4 = s < m4
        m4 = jnp.where(b3, m3, jnp.where(b4, s, m4))
        a4 = jnp.where(b3, a3, jnp.where(b4, ik, a4))
        m3 = jnp.where(b2, m2, jnp.where(b3, s, m3))
        a3 = jnp.where(b2, a2, jnp.where(b3, ik, a3))
        m2 = jnp.where(b1, m1, jnp.where(b2, s, m2))
        a2 = jnp.where(b1, a1, jnp.where(b2, ik, a2))
        m1 = jnp.where(b1, s, m1)
        a1 = jnp.where(b1, ik, a1)

    col = lax.broadcasted_iota(jnp.int32, (G, M), 1)

    def body(m, st):
        m1, m2, m3, m4, a1, a2, a3, a4, idxc = st
        j = jnp.argmin(m1, axis=1).astype(jnp.int32)[:, None]
        oh = lane == j
        aext = jnp.sum(jnp.where(oh, a1, 0), axis=1, keepdims=True)
        idxc = jnp.where(col == m, aext, idxc)
        m1 = jnp.where(oh, m2, m1)
        a1 = jnp.where(oh, a2, a1)
        m2 = jnp.where(oh, m3, m2)
        a2 = jnp.where(oh, a3, a2)
        m3 = jnp.where(oh, m4, m3)
        a3 = jnp.where(oh, a4, a3)
        m4 = jnp.where(oh, BIG, m4)
        return (m1, m2, m3, m4, a1, a2, a3, a4, idxc)

    st = (m1, m2, m3, m4, a1, a2, a3, a4, jnp.zeros((G, M), jnp.int32))
    st = lax.fori_loop(0, M, body, st)
    idxc = st[-1]
    idx_ref[...] = (idxc + pl.program_id(0) * N)[None]


def _topk(x, y, z, cxt, cyt, czt):
    return pl.pallas_call(
        _topk_body,
        grid=(B,),
        in_specs=[
            pl.BlockSpec((1, 1, N), lambda b: (b, 0, 0)),
            pl.BlockSpec((1, 1, N), lambda b: (b, 0, 0)),
            pl.BlockSpec((1, 1, N), lambda b: (b, 0, 0)),
            pl.BlockSpec((1, G, 1), lambda b: (b, 0, 0)),
            pl.BlockSpec((1, G, 1), lambda b: (b, 0, 0)),
            pl.BlockSpec((1, G, 1), lambda b: (b, 0, 0)),
        ],
        out_specs=pl.BlockSpec((1, G, M), lambda b: (b, 0, 0)),
        out_shape=jax.ShapeDtypeStruct((B, G, M), jnp.int32),
    )(
        x[:, None, :],
        y[:, None, :],
        z[:, None, :],
        cxt[:, :, None],
        cyt[:, :, None],
        czt[:, :, None],
    )


_NW = 32
_RPW = (B * G * M) // _NW
_CHUNK = 128
_NCH = _RPW // _CHUNK


def _sc_gather_body(tbl_hbm, idx_hbm, out_hbm, idx_v, rows_v, sem):
    wid = lax.axis_index("s") * 2 + lax.axis_index("c")
    base = wid * _RPW
    pltpu.sync_copy(idx_hbm.at[pl.ds(wid * _NCH, _NCH)], idx_v)
    descs = []
    for j in range(_NCH):
        dst = pl.ds(j * _CHUNK, _CHUNK)
        descs.append(pltpu.async_copy(tbl_hbm.at[idx_v.at[j]], rows_v.at[dst], sem))
    for d in descs:
        d.wait()
    pltpu.sync_copy(rows_v, out_hbm.at[pl.ds(base, _RPW)])


def _sc_gather(tbl8, idx2d):
    mesh = plsc.VectorSubcoreMesh(core_axis_name="c", subcore_axis_name="s")
    fn = functools.partial(
        pl.kernel,
        mesh=mesh,
        out_type=jax.ShapeDtypeStruct((B * G * M, 8), jnp.float32),
        scratch_types=[
            pltpu.VMEM((_NCH, _CHUNK), jnp.int32),
            pltpu.VMEM((_RPW, 8), jnp.float32),
            pltpu.SemaphoreType.DMA,
        ],
        compiler_params=pltpu.CompilerParams(use_tc_tiling_on_sc=False),
    )(_sc_gather_body)
    return fn(tbl8, idx2d)


_DBLK = (B * G * M) // 16


def _sub_body(g_ref, cen_ref, neigh_ref, feats_ref):
    g = g_ref[...]
    n = g[:, 0:3]
    col = g[:, 3:6]
    cen = cen_ref[...]
    crep = jnp.broadcast_to(cen[:, None, :], (_DBLK // M, M, 3)).reshape(_DBLK, 3)
    d = n - crep
    neigh_ref[...] = d
    feats_ref[...] = jnp.concatenate([d, col], axis=1)


def _center_sub(g8, centers_flat):
    nrow = B * G * M
    return pl.pallas_call(
        _sub_body,
        grid=(16,),
        in_specs=[
            pl.BlockSpec((_DBLK, 8), lambda i: (i, 0)),
            pl.BlockSpec((_DBLK // M, 3), lambda i: (i, 0)),
        ],
        out_specs=[
            pl.BlockSpec((_DBLK, 3), lambda i: (i, 0)),
            pl.BlockSpec((_DBLK, 6), lambda i: (i, 0)),
        ],
        out_shape=[
            jax.ShapeDtypeStruct((nrow, 3), jnp.float32),
            jax.ShapeDtypeStruct((nrow, 6), jnp.float32),
        ],
    )(g8, centers_flat)


def kernel(xyz, color):
    x = xyz[:, :, 0]
    y = xyz[:, :, 1]
    z = xyz[:, :, 2]
    cx, cy, cz = _fps(x, y, z)
    centers = jnp.stack([cx, cy, cz], axis=-1)
    idx = _topk(x, y, z, cx, cy, cz)
    idx2d = idx.reshape(_NW * _NCH, _CHUNK)
    tbl8 = jnp.concatenate(
        [
            xyz.reshape(B * N, 3),
            color.reshape(B * N, 3),
            jnp.zeros((B * N, 2), jnp.float32),
        ],
        axis=1,
    )
    g8 = _sc_gather(tbl8, idx2d)
    neigh_f, feats_f = _center_sub(g8, centers.reshape(B * G, 3))
    neigh = neigh_f.reshape(B, G, M, 3)
    feats = feats_f.reshape(B, G, M, 6)
    return (neigh, centers, feats)

# --- scband reference (transcript-rebuilt; emitter-appended) ---
"""Pipeline reference for scband-group-54941221650988 (READ-ONLY COPY).

The authoritative reference and input builder live on the scoring server;
editing this copy changes nothing except your own understanding.
"""

import jax, jax.numpy as jnp
import numpy as np

NUM_GROUP = 256
GROUP_SIZE = 32


def square_distance(src, dst):
    dist = -2 * jnp.matmul(src, jnp.swapaxes(dst, 1, 2))
    dist = dist + jnp.sum(src ** 2, -1)[..., None]
    dist = dist + jnp.sum(dst ** 2, -1)[:, None, :]
    return dist


def fps(xyz, npoint):
    B, N, C = xyz.shape

    def body(i, state):
        centroids, distance, farthest = state
        centroids = centroids.at[:, i].set(farthest)
        idx = jnp.broadcast_to(farthest[:, None, None], (B, 1, C))
        centroid = jnp.take_along_axis(xyz, idx, axis=1)
        d = jnp.sum((xyz - centroid) ** 2, -1)
        distance = jnp.minimum(distance, d)
        farthest = jnp.argmax(distance, axis=-1).astype(jnp.int32)
        return (centroids, distance, farthest)

    centroids = jnp.zeros((B, npoint), dtype=jnp.int32)
    distance = jnp.full((B, N), 1e10, dtype=xyz.dtype)
    farthest = jnp.zeros((B,), dtype=jnp.int32)
    centroids, _, _ = jax.lax.fori_loop(0, npoint, body, (centroids, distance, farthest))
    gidx = jnp.broadcast_to(centroids[..., None], (B, npoint, C))
    return jnp.take_along_axis(xyz, gidx, axis=1)


def knn_point(nsample, xyz, new_xyz):
    dist = square_distance(new_xyz, xyz)
    _, idx = jax.lax.top_k(-dist, nsample)
    return idx


def setup_inputs(seed: int = 0) -> dict:
    key = jax.random.key(seed)
    k1, k2 = jax.random.split(key)
    xyz = jax.random.normal(k1, (8, 8192, 3), dtype=jnp.float32)
    color = jax.random.uniform(k2, (8, 8192, 3), dtype=jnp.float32)
    return {"xyz": xyz, "color": color}


def reference(xyz, color):
    B, N, _ = xyz.shape
    G, M = NUM_GROUP, GROUP_SIZE
    centers = fps(xyz, G)
    idx = knn_point(M, xyz, centers)
    base = (jnp.arange(B, dtype=idx.dtype) * N).reshape(-1, 1, 1)
    idx_flat = (idx + base).reshape(-1)
    neigh = xyz.reshape(B * N, -1)[idx_flat, :].reshape(B, G, M, 3)
    neigh_c = color.reshape(B * N, -1)[idx_flat, :].reshape(B, G, M, 3)
    neigh = neigh - centers[:, :, None, :]
    feats = jnp.concatenate([neigh, neigh_c], axis=-1)
    return (neigh, centers, feats)

if __name__ == "__main__":
    import jax
    _d = setup_inputs()
    print(jax.jit(kernel)(*tuple(_d.values())))

</pallas_src>

<mosaic_0001>
#map = affine_map<(d0, d1) -> (0, 0)>
module attributes {stable_mosaic.version = 14 : i64} {
  func.func @_sc_gather_body(%arg0: i32, %arg1: i32, %arg2: memref<65536x8xf32, #tpu.memory_space<hbm>>, %arg3: memref<512x128xi32, #tpu.memory_space<hbm>>, %arg4: memref<65536x8xf32, #tpu.memory_space<hbm>>, %arg5: memref<16x128xi32, #tpu.memory_space<vmem>>, %arg6: memref<2048x8xf32, #tpu.memory_space<vmem>>, %arg7: memref<!tpu.dma_semaphore, #tpu.memory_space<semaphore_mem>>) attributes {dimension_semantics = [#tpu.dimension_semantics<core_parallel>, #tpu.dimension_semantics<subcore_parallel>], iteration_bounds = array<i64: 2, 16>, scalar_prefetch = 0 : i64, scratch_operands = 3 : i64, tpu.core_type = #tpu.core_type<sc_vector_subcore>, window_params = [{transform_indices = #map}, {transform_indices = #map}, {transform_indices = #map}]} {
    %mul3A = arith.constant 2 : i32
    %mul3A_0 = arith.muli %arg1, %mul3A : i32
    %add3A = arith.addi %mul3A_0, %arg0 : i32
    %mul3A_1 = arith.constant 2048 : i32
    %mul3A_2 = arith.muli %add3A, %mul3A_1 : i32
    %mul3A_3 = arith.constant 16 : i32
    %mul3A_4 = arith.muli %add3A, %mul3A_3 : i32
    "tpu.region"() ({
      %run_scoped3A = tpu.sem_alloc : memref<!tpu.dma_semaphore, #tpu.memory_space<semaphore_mem>>
      %dma_start3A_323 = arith.constant 0 : i32
      %dma_start3A_324 = tpu.memref_slice %arg3[%mul3A_4, %dma_start3A_323] : memref<512x128xi32, #tpu.memory_space<hbm>> -> memref<16x128xi32, #tpu.memory_space<hbm>>
      %dma_start3A_325 = arith.constant 0 : i32
      %dma_start3A_326 = tpu.memref_slice %arg3[%mul3A_4, %dma_start3A_325] : memref<512x128xi32, #tpu.memory_space<hbm>> -> memref<16x128xi32, #tpu.memory_space<hbm>>
      tpu.enqueue_dma source(%dma_start3A_326 : memref<16x128xi32, #tpu.memory_space<hbm>>) target(%arg5 : memref<16x128xi32, #tpu.memory_space<vmem>>) target_semaphore(%run_scoped3A : memref<!tpu.dma_semaphore, #tpu.memory_space<semaphore_mem>>)
      %dma_wait3A_327 = arith.constant 0 : i32
      %dma_wait3A_328 = tpu.memref_slice %arg3[%mul3A_4, %dma_wait3A_327] : memref<512x128xi32, #tpu.memory_space<hbm>> -> memref<16x128xi32, #tpu.memory_space<hbm>>
      %dma_wait3A_329 = arith.constant 0 : i32
      %dma_wait3A_330 = tpu.memref_slice %arg3[%mul3A_4, %dma_wait3A_329] : memref<512x128xi32, #tpu.memory_space<hbm>> -> memref<16x128xi32, #tpu.memory_space<hbm>>
      tpu.wait_dma2 semaphore(%run_scoped3A : memref<!tpu.dma_semaphore, #tpu.memory_space<semaphore_mem>>) src(%dma_wait3A_330 : memref<16x128xi32, #tpu.memory_space<hbm>>) dst(%arg5 : memref<16x128xi32, #tpu.memory_space<vmem>>)
      tpu.yield
    }) : () -> ()
    %dma_start3A = arith.constant 0 : i32
    %dma_start3A_5 = arith.constant 0 : i32
    %dma_start3A_6 = arith.constant 0 : i32
    %dma_start3A_7 = tpu.memref_slice %arg6[%dma_start3A_5, %dma_start3A_6] : memref<2048x8xf32, #tpu.memory_space<vmem>> -> memref<128x8xf32, #tpu.memory_space<vmem>>
    %dma_start3A_8 = arith.constant 0 : i32
    %dma_start3A_9 = tpu.memref_slice %arg5[%dma_start3A, %dma_start3A_8] : memref<16x128xi32, #tpu.memory_space<vmem>> -> memref<1x128xi32, #tpu.memory_space<vmem>>
    %dma_start3A_10 = tpu.memref_squeeze %dma_start3A_9 : memref<1x128xi32, #tpu.memory_space<vmem>> -> memref<128xi32, #tpu.memory_space<vmem>>
    %dma_start3A_11 = arith.constant 0 : i32
    %dma_start3A_12 = arith.constant 0 : i32
    %dma_start3A_13 = tpu.memref_slice %arg2[%dma_start3A_11, %dma_start3A_12] : memref<65536x8xf32, #tpu.memory_space<hbm>> -> memref<65536x8xf32, #tpu.memory_space<hbm>>
    tpu.enqueue_indirect_dma source(%dma_start3A_13 : memref<65536x8xf32, #tpu.memory_space<hbm>>) target(%dma_start3A_7 : memref<128x8xf32, #tpu.memory_space<vmem>>) offsets(%dma_start3A_10 : memref<128xi32, #tpu.memory_space<vmem>>) semaphore(%arg7 : memref<!tpu.dma_semaphore, #tpu.memory_space<semaphore_mem>>)
    %dma_start3A_14 = arith.constant 1 : i32
    %dma_start3A_15 = arith.constant 128 : i32
    %dma_start3A_16 = arith.constant 0 : i32
    %dma_start3A_17 = tpu.memref_slice %arg6[%dma_start3A_15, %dma_start3A_16] : memref<2048x8xf32, #tpu.memory_space<vmem>> -> memref<128x8xf32, #tpu.memory_space<vmem>>
    %dma_start3A_18 = arith.constant 0 : i32
    %dma_start3A_19 = tpu.memref_slice %arg5[%dma_start3A_14, %dma_start3A_18] : memref<16x128xi32, #tpu.memory_space<vmem>> -> memref<1x128xi32, #tpu.memory_space<vmem>>
    %dma_start3A_20 = tpu.memref_squeeze %dma_start3A_19 : memref<1x128xi32, #tpu.memory_space<vmem>> -> memref<128xi32, #tpu.memory_space<vmem>>
    %dma_start3A_21 = arith.constant 0 : i32
    %dma_start3A_22 = arith.constant 0 : i32
    %dma_start3A_23 = tpu.memref_slice %arg2[%dma_start3A_21, %dma_start3A_22] : memref<65536x8xf32, #tpu.memory_space<hbm>> -> memref<65536x8xf32, #tpu.memory_space<hbm>>
    tpu.enqueue_indirect_dma source(%dma_start3A_23 : memref<65536x8xf32, #tpu.memory_space<hbm>>) target(%dma_start3A_17 : memref<128x8xf32, #tpu.memory_space<vmem>>) offsets(%dma_start3A_20 : memref<128xi32, #tpu.memory_space<vmem>>) semaphore(%arg7 : memref<!tpu.dma_semaphore, #tpu.memory_space<semaphore_mem>>)
    %dma_start3A_24 = arith.constant 2 : i32
    %dma_start3A_25 = arith.constant 256 : i32
    %dma_start3A_26 = arith.constant 0 : i32
    %dma_start3A_27 = tpu.memref_slice %arg6[%dma_start3A_25, %dma_start3A_26] : memref<2048x8xf32, #tpu.memory_space<vmem>> -> memref<128x8xf32, #tpu.memory_space<vmem>>
    %dma_start3A_28 = arith.constant 0 : i32
    %dma_start3A_29 = tpu.memref_slice %arg5[%dma_start3A_24, %dma_start3A_28] : memref<16x128xi32, #tpu.memory_space<vmem>> -> memref<1x128xi32, #tpu.memory_space<vmem>>
    %dma_start3A_30 = tpu.memref_squeeze %dma_start3A_29 : memref<1x128xi32, #tpu.memory_space<vmem>> -> memref<128xi32, #tpu.memory_space<vmem>>
    %dma_start3A_31 = arith.constant 0 : i32
    %dma_start3A_32 = arith.constant 0 : i32
    %dma_start3A_33 = tpu.memref_slice %arg2[%dma_start3A_31, %dma_start3A_32] : memref<65536x8xf32, #tpu.memory_space<hbm>> -> memref<65536x8xf32, #tpu.memory_space<hbm>>
    tpu.enqueue_indirect_dma source(%dma_start3A_33 : memref<65536x8xf32, #tpu.memory_space<hbm>>) target(%dma_start3A_27 : memref<128x8xf32, #tpu.memory_space<vmem>>) offsets(%dma_start3A_30 : memref<128xi32, #tpu.memory_space<vmem>>) semaphore(%arg7 : memref<!tpu.dma_semaphore, #tpu.memory_space<semaphore_mem>>)
    %dma_start3A_34 = arith.constant 3 : i32
    %dma_start3A_35 = arith.constant 384 : i32
    %dma_start3A_36 = arith.constant 0 : i32
    %dma_start3A_37 = tpu.memref_slice %arg6[%dma_start3A_35, %dma_start3A_36] : memref<2048x8xf32, #tpu.memory_space<vmem>> -> memref<128x8xf32, #tpu.memory_space<vmem>>
    %dma_start3A_38 = arith.constant 0 : i32
    %dma_start3A_39 = tpu.memref_slice %arg5[%dma_start3A_34, %dma_start3A_38] : memref<16x128xi32, #tpu.memory_space<vmem>> -> memref<1x128xi32, #tpu.memory_space<vmem>>
    %dma_start3A_40 = tpu.memref_squeeze %dma_start3A_39 : memref<1x128xi32, #tpu.memory_space<vmem>> -> memref<128xi32, #tpu.memory_space<vmem>>
    %dma_start3A_41 = arith.constant 0 : i32
    %dma_start3A_42 = arith.constant 0 : i32
    %dma_start3A_43 = tpu.memref_slice %arg2[%dma_start3A_41, %dma_start3A_42] : memref<65536x8xf32, #tpu.memory_space<hbm>> -> memref<65536x8xf32, #tpu.memory_space<hbm>>
    tpu.enqueue_indirect_dma source(%dma_start3A_43 : memref<65536x8xf32, #tpu.memory_space<hbm>>) target(%dma_start3A_37 : memref<128x8xf32, #tpu.memory_space<vmem>>) offsets(%dma_start3A_40 : memref<128xi32, #tpu.memory_space<vmem>>) semaphore(%arg7 : memref<!tpu.dma_semaphore, #tpu.memory_space<semaphore_mem>>)
    %dma_start3A_44 = arith.constant 4 : i32
    %dma_start3A_45 = arith.constant 512 : i32
    %dma_start3A_46 = arith.constant 0 : i32
    %dma_start3A_47 = tpu.memref_slice %arg6[%dma_start3A_45, %dma_start3A_46] : memref<2048x8xf32, #tpu.memory_space<vmem>> -> memref<128x8xf32, #tpu.memory_space<vmem>>
    %dma_start3A_48 = arith.constant 0 : i32
    %dma_start3A_49 = tpu.memref_slice %arg5[%dma_start3A_44, %dma_start3A_48] : memref<16x128xi32, #tpu.memory_space<vmem>> -> memref<1x128xi32, #tpu.memory_space<vmem>>
    %dma_start3A_50 = tpu.memref_squeeze %dma_start3A_49 : memref<1x128xi32, #tpu.memory_space<vmem>> -> memref<128xi32, #tpu.memory_space<vmem>>
    %dma_start3A_51 = arith.constant 0 : i32
    %dma_start3A_52 = arith.constant 0 : i32
    %dma_start3A_53 = tpu.memref_slice %arg2[%dma_start3A_51, %dma_start3A_52] : memref<65536x8xf32, #tpu.memory_space<hbm>> -> memref<65536x8xf32, #tpu.memory_space<hbm>>
    tpu.enqueue_indirect_dma source(%dma_start3A_53 : memref<65536x8xf32, #tpu.memory_space<hbm>>) target(%dma_start3A_47 : memref<128x8xf32, #tpu.memory_space<vmem>>) offsets(%dma_start3A_50 : memref<128xi32, #tpu.memory_space<vmem>>) semaphore(%arg7 : memref<!tpu.dma_semaphore, #tpu.memory_space<semaphore_mem>>)
    %dma_start3A_54 = arith.constant 5 : i32
    %dma_start3A_55 = arith.constant 640 : i32
    %dma_start3A_56 = arith.constant 0 : i32
    %dma_start3A_57 = tpu.memref_slice %arg6[%dma_start3A_55, %dma_start3A_56] : memref<2048x8xf32, #tpu.memory_space<vmem>> -> memref<128x8xf32, #tpu.memory_space<vmem>>
    %dma_start3A_58 = arith.constant 0 : i32
    %dma_start3A_59 = tpu.memref_slice %arg5[%dma_start3A_54, %dma_start3A_58] : memref<16x128xi32, #tpu.memory_space<vmem>> -> memref<1x128xi32, #tpu.memory_space<vmem>>
    %dma_start3A_60 = tpu.memref_squeeze %dma_start3A_59 : memref<1x128xi32, #tpu.memory_space<vmem>> -> memref<128xi32, #tpu.memory_space<vmem>>
    %dma_start3A_61 = arith.constant 0 : i32
    %dma_start3A_62 = arith.constant 0 : i32
    %dma_start3A_63 = tpu.memref_slice %arg2[%dma_start3A_61, %dma_start3A_62] : memref<65536x8xf32, #tpu.memory_space<hbm>> -> memref<65536x8xf32, #tpu.memory_space<hbm>>
    tpu.enqueue_indirect_dma source(%dma_start3A_63 : memref<65536x8xf32, #tpu.memory_space<hbm>>) target(%dma_start3A_57 : memref<128x8xf32, #tpu.memory_space<vmem>>) offsets(%dma_start3A_60 : memref<128xi32, #tpu.memory_space<vmem>>) semaphore(%arg7 : memref<!tpu.dma_semaphore, #tpu.memory_space<semaphore_mem>>)
    %dma_start3A_64 = arith.constant 6 : i32
    %dma_start3A_65 = arith.constant 768 : i32
    %dma_start3A_66 = arith.constant 0 : i32
    %dma_start3A_67 = tpu.memref_slice %arg6[%dma_start3A_65, %dma_start3A_66] : memref<2048x8xf32, #tpu.memory_space<vmem>> -> memref<128x8xf32, #tpu.memory_space<vmem>>
    %dma_start3A_68 = arith.constant 0 : i32
    %dma_start3A_69 = tpu.memref_slice %arg5[%dma_start3A_64, %dma_start3A_68] : memref<16x128xi32, #tpu.memory_space<vmem>> -> memref<1x128xi32, #tpu.memory_space<vmem>>
    %dma_start3A_70 = tpu.memref_squeeze %dma_start3A_69 : memref<1x128xi32, #tpu.memory_space<vmem>> -> memref<128xi32, #tpu.memory_space<vmem>>
    %dma_start3A_71 = arith.constant 0 : i32
    %dma_start3A_72 = arith.constant 0 : i32
    %dma_start3A_73 = tpu.memref_slice %arg2[%dma_start3A_71, %dma_start3A_72] : memref<65536x8xf32, #tpu.memory_space<hbm>> -> memref<65536x8xf32, #tpu.memory_space<hbm>>
    tpu.enqueue_indirect_dma source(%dma_start3A_73 : memref<65536x8xf32, #tpu.memory_space<hbm>>) target(%dma_start3A_67 : memref<128x8xf32, #tpu.memory_space<vmem>>) offsets(%dma_start3A_70 : memref<128xi32, #tpu.memory_space<vmem>>) semaphore(%arg7 : memref<!tpu.dma_semaphore, #tpu.memory_space<semaphore_mem>>)
    %dma_start3A_74 = arith.constant 7 : i32
    %dma_start3A_75 = arith.constant 896 : i32
    %dma_start3A_76 = arith.constant 0 : i32
    %dma_start3A_77 = tpu.memref_slice %arg6[%dma_start3A_75, %dma_start3A_76] : memref<2048x8xf32, #tpu.memory_space<vmem>> -> memref<128x8xf32, #tpu.memory_space<vmem>>
    %dma_start3A_78 = arith.constant 0 : i32
    %dma_start3A_79 = tpu.memref_slice %arg5[%dma_start3A_74, %dma_start3A_78] : memref<16x128xi32, #tpu.memory_space<vmem>> -> memref<1x128xi32, #tpu.memory_space<vmem>>
    %dma_start3A_80 = tpu.memref_squeeze %dma_start3A_79 : memref<1x128xi32, #tpu.memory_space<vmem>> -> memref<128xi32, #tpu.memory_space<vmem>>
    %dma_start3A_81 = arith.constant 0 : i32
    %dma_start3A_82 = arith.constant 0 : i32
    %dma_start3A_83 = tpu.memref_slice %arg2[%dma_start3A_81, %dma_start3A_82] : memref<65536x8xf32, #tpu.memory_space<hbm>> -> memref<65536x8xf32, #tpu.memory_space<hbm>>
    tpu.enqueue_indirect_dma source(%dma_start3A_83 : memref<65536x8xf32, #tpu.memory_space<hbm>>) target(%dma_start3A_77 : memref<128x8xf32, #tpu.memory_space<vmem>>) offsets(%dma_start3A_80 : memref<128xi32, #tpu.memory_space<vmem>>) semaphore(%arg7 : memref<!tpu.dma_semaphore, #tpu.memory_space<semaphore_mem>>)
    %dma_start3A_84 = arith.constant 8 : i32
    %dma_start3A_85 = arith.constant 1024 : i32
    %dma_start3A_86 = arith.constant 0 : i32
    %dma_start3A_87 = tpu.memref_slice %arg6[%dma_start3A_85, %dma_start3A_86] : memref<2048x8xf32, #tpu.memory_space<vmem>> -> memref<128x8xf32, #tpu.memory_space<vmem>>
    %dma_start3A_88 = arith.constant 0 : i32
    %dma_start3A_89 = tpu.memref_slice %arg5[%dma_start3A_84, %dma_start3A_88] : memref<16x128xi32, #tpu.memory_space<vmem>> -> memref<1x128xi32, #tpu.memory_space<vmem>>
    %dma_start3A_90 = tpu.memref_squeeze %dma_start3A_89 : memref<1x128xi32, #tpu.memory_space<vmem>> -> memref<128xi32, #tpu.memory_space<vmem>>
    %dma_start3A_91 = arith.constant 0 : i32
    %dma_start3A_92 = arith.constant 0 : i32
    %dma_start3A_93 = tpu.memref_slice %arg2[%dma_start3A_91, %dma_start3A_92] : memref<65536x8xf32, #tpu.memory_space<hbm>> -> memref<65536x8xf32, #tpu.memory_space<hbm>>
    tpu.enqueue_indirect_dma source(%dma_start3A_93 : memref<65536x8xf32, #tpu.memory_space<hbm>>) target(%dma_start3A_87 : memref<128x8xf32, #tpu.memory_space<vmem>>) offsets(%dma_start3A_90 : memref<128xi32, #tpu.memory_space<vmem>>) semaphore(%arg7 : memref<!tpu.dma_semaphore, #tpu.memory_space<semaphore_mem>>)
    %dma_start3A_94 = arith.constant 9 : i32
    %dma_start3A_95 = arith.constant 1152 : i32
    %dma_start3A_96 = arith.constant 0 : i32
    %dma_start3A_97 = tpu.memref_slice %arg6[%dma_start3A_95, %dma_start3A_96] : memref<2048x8xf32, #tpu.memory_space<vmem>> -> memref<128x8xf32, #tpu.memory_space<vmem>>
    %dma_start3A_98 = arith.constant 0 : i32
    %dma_start3A_99 = tpu.memref_slice %arg5[%dma_start3A_94, %dma_start3A_98] : memref<16x128xi32, #tpu.memory_space<vmem>> -> memref<1x128xi32, #tpu.memory_space<vmem>>
    %dma_start3A_100 = tpu.memref_squeeze %dma_start3A_99 : memref<1x128xi32, #tpu.memory_space<vmem>> -> memref<128xi32, #tpu.memory_space<vmem>>
    %dma_start3A_101 = arith.constant 0 : i32
    %dma_start3A_102 = arith.constant 0 : i32
    %dma_start3A_103 = tpu.memref_slice %arg2[%dma_start3A_101, %dma_start3A_102] : memref<65536x8xf32, #tpu.memory_space<hbm>> -> memref<65536x8xf32, #tpu.memory_space<hbm>>
    tpu.enqueue_indirect_dma source(%dma_start3A_103 : memref<65536x8xf32, #tpu.memory_space<hbm>>) target(%dma_start3A_97 : memref<128x8xf32, #tpu.memory_space<vmem>>) offsets(%dma_start3A_100 : memref<128xi32, #tpu.memory_space<vmem>>) semaphore(%arg7 : memref<!tpu.dma_semaphore, #tpu.memory_space<semaphore_mem>>)
    %dma_start3A_104 = arith.constant 10 : i32
    %dma_start3A_105 = arith.constant 1280 : i32
    %dma_start3A_106 = arith.constant 0 : i32
    %dma_start3A_107 = tpu.memref_slice %arg6[%dma_start3A_105, %dma_start3A_106] : memref<2048x8xf32, #tpu.memory_space<vmem>> -> memref<128x8xf32, #tpu.memory_space<vmem>>
    %dma_start3A_108 = arith.constant 0 : i32
    %dma_start3A_109 = tpu.memref_slice %arg5[%dma_start3A_104, %dma_start3A_108] : memref<16x128xi32, #tpu.memory_space<vmem>> -> memref<1x128xi32, #tpu.memory_space<vmem>>
    %dma_start3A_110 = tpu.memref_squeeze %dma_start3A_109 : memref<1x128xi32, #tpu.memory_space<vmem>> -> memref<128xi32, #tpu.memory_space<vmem>>
    %dma_start3A_111 = arith.constant 0 : i32
    %dma_start3A_112 = arith.constant 0 : i32
    %dma_start3A_113 = tpu.memref_slice %arg2[%dma_start3A_111, %dma_start3A_112] : memref<65536x8xf32, #tpu.memory_space<hbm>> -> memref<65536x8xf32, #tpu.memory_space<hbm>>
    tpu.enqueue_indirect_dma source(%dma_start3A_113 : memref<65536x8xf32, #tpu.memory_space<hbm>>) target(%dma_start3A_107 : memref<128x8xf32, #tpu.memory_space<vmem>>) offsets(%dma_start3A_110 : memref<128xi32, #tpu.memory_space<vmem>>) semaphore(%arg7 : memref<!tpu.dma_semaphore, #tpu.memory_space<semaphore_mem>>)
    %dma_start3A_114 = arith.constant 11 : i32
    %dma_start3A_115 = arith.constant 1408 : i32
    %dma_start3A_116 = arith.constant 0 : i32
    %dma_start3A_117 = tpu.memref_slice %arg6[%dma_start3A_115, %dma_start3A_116] : memref<2048x8xf32, #tpu.memory_space<vmem>> -> memref<128x8xf32, #tpu.memory_space<vmem>>
    %dma_start3A_118 = arith.constant 0 : i32
    %dma_start3A_119 = tpu.memref_slice %arg5[%dma_start3A_114, %dma_start3A_118] : memref<16x128xi32, #tpu.memory_space<vmem>> -> memref<1x128xi32, #tpu.memory_space<vmem>>
    %dma_start3A_120 = tpu.memref_squeeze %dma_start3A_119 : memref<1x128xi32, #tpu.memory_space<vmem>> -> memref<128xi32, #tpu.memory_space<vmem>>
    %dma_start3A_121 = arith.constant 0 : i32
    %dma_start3A_122 = arith.constant 0 : i32
    %dma_start3A_123 = tpu.memref_slice %arg2[%dma_start3A_121, %dma_start3A_122] : memref<65536x8xf32, #tpu.memory_space<hbm>> -> memref<65536x8xf32, #tpu.memory_space<hbm>>
    tpu.enqueue_indirect_dma source(%dma_start3A_123 : memref<65536x8xf32, #tpu.memory_space<hbm>>) target(%dma_start3A_117 : memref<128x8xf32, #tpu.memory_space<vmem>>) offsets(%dma_start3A_120 : memref<128xi32, #tpu.memory_space<vmem>>) semaphore(%arg7 : memref<!tpu.dma_semaphore, #tpu.memory_space<semaphore_mem>>)
    %dma_start3A_124 = arith.constant 12 : i32
    %dma_start3A_125 = arith.constant 1536 : i32
    %dma_start3A_126 = arith.constant 0 : i32
    %dma_start3A_127 = tpu.memref_slice %arg6[%dma_start3A_125, %dma_start3A_126] : memref<2048x8xf32, #tpu.memory_space<vmem>> -> memref<128x8xf32, #tpu.memory_space<vmem>>
    %dma_start3A_128 = arith.constant 0 : i32
    %dma_start3A_129 = tpu.memref_slice %arg5[%dma_start3A_124, %dma_start3A_128] : memref<16x128xi32, #tpu.memory_space<vmem>> -> memref<1x128xi32, #tpu.memory_space<vmem>>
    %dma_start3A_130 = tpu.memref_squeeze %dma_start3A_129 : memref<1x128xi32, #tpu.memory_space<vmem>> -> memref<128xi32, #tpu.memory_space<vmem>>
    %dma_start3A_131 = arith.constant 0 : i32
    %dma_start3A_132 = arith.constant 0 : i32
    %dma_start3A_133 = tpu.memref_slice %arg2[%dma_start3A_131, %dma_start3A_132] : memref<65536x8xf32, #tpu.memory_space<hbm>> -> memref<65536x8xf32, #tpu.memory_space<hbm>>
    tpu.enqueue_indirect_dma source(%dma_start3A_133 : memref<65536x8xf32, #tpu.memory_space<hbm>>) target(%dma_start3A_127 : memref<128x8xf32, #tpu.memory_space<vmem>>) offsets(%dma_start3A_130 : memref<128xi32, #tpu.memory_space<vmem>>) semaphore(%arg7 : memref<!tpu.dma_semaphore, #tpu.memory_space<semaphore_mem>>)
    %dma_start3A_134 = arith.constant 13 : i32
    %dma_start3A_135 = arith.constant 1664 : i32
    %dma_start3A_136 = arith.constant 0 : i32
    %dma_start3A_137 = tpu.memref_slice %arg6[%dma_start3A_135, %dma_start3A_136] : memref<2048x8xf32, #tpu.memory_space<vmem>> -> memref<128x8xf32, #tpu.memory_space<vmem>>
    %dma_start3A_138 = arith.constant 0 : i32
    %dma_start3A_139 = tpu.memref_slice %arg5[%dma_start3A_134, %dma_start3A_138] : memref<16x128xi32, #tpu.memory_space<vmem>> -> memref<1x128xi32, #tpu.memory_space<vmem>>
    %dma_start3A_140 = tpu.memref_squeeze %dma_start3A_139 : memref<1x128xi32, #tpu.memory_space<vmem>> -> memref<128xi32, #tpu.memory_space<vmem>>
    %dma_start3A_141 = arith.constant 0 : i32
    %dma_start3A_142 = arith.constant 0 : i32
    %dma_start3A_143 = tpu.memref_slice %arg2[%dma_start3A_141, %dma_start3A_142] : memref<65536x8xf32, #tpu.memory_space<hbm>> -> memref<65536x8xf32, #tpu.memory_space<hbm>>
    tpu.enqueue_indirect_dma source(%dma_start3A_143 : memref<65536x8xf32, #tpu.memory_space<hbm>>) target(%dma_start3A_137 : memref<128x8xf32, #tpu.memory_space<vmem>>) offsets(%dma_start3A_140 : memref<128xi32, #tpu.memory_space<vmem>>) semaphore(%arg7 : memref<!tpu.dma_semaphore, #tpu.memory_space<semaphore_mem>>)
    %dma_start3A_144 = arith.constant 14 : i32
    %dma_start3A_145 = arith.constant 1792 : i32
    %dma_start3A_146 = arith.constant 0 : i32
    %dma_start3A_147 = tpu.memref_slice %arg6[%dma_start3A_145, %dma_start3A_146] : memref<2048x8xf32, #tpu.memory_space<vmem>> -> memref<128x8xf32, #tpu.memory_space<vmem>>
    %dma_start3A_148 = arith.constant 0 : i32
    %dma_start3A_149 = tpu.memref_slice %arg5[%dma_start3A_144, %dma_start3A_148] : memref<16x128xi32, #tpu.memory_space<vmem>> -> memref<1x128xi32, #tpu.memory_space<vmem>>
    %dma_start3A_150 = tpu.memref_squeeze %dma_start3A_149 : memref<1x128xi32, #tpu.memory_space<vmem>> -> memref<128xi32, #tpu.memory_space<vmem>>
    %dma_start3A_151 = arith.constant 0 : i32
    %dma_start3A_152 = arith.constant 0 : i32
    %dma_start3A_153 = tpu.memref_slice %arg2[%dma_start3A_151, %dma_start3A_152] : memref<65536x8xf32, #tpu.memory_space<hbm>> -> memref<65536x8xf32, #tpu.memory_space<hbm>>
    tpu.enqueue_indirect_dma source(%dma_start3A_153 : memref<65536x8xf32, #tpu.memory_space<hbm>>) target(%dma_start3A_147 : memref<128x8xf32, #tpu.memory_space<vmem>>) offsets(%dma_start3A_150 : memref<128xi32, #tpu.memory_space<vmem>>) semaphore(%arg7 : memref<!tpu.dma_semaphore, #tpu.memory_space<semaphore_mem>>)
    %dma_start3A_154 = arith.constant 15 : i32
    %dma_start3A_155 = arith.constant 1920 : i32
    %dma_start3A_156 = arith.constant 0 : i32
    %dma_start3A_157 = tpu.memref_slice %arg6[%dma_start3A_155, %dma_start3A_156] : memref<2048x8xf32, #tpu.memory_space<vmem>> -> memref<128x8xf32, #tpu.memory_space<vmem>>
    %dma_start3A_158 = arith.constant 0 : i32
    %dma_start3A_159 = tpu.memref_slice %arg5[%dma_start3A_154, %dma_start3A_158] : memref<16x128xi32, #tpu.memory_space<vmem>> -> memref<1x128xi32, #tpu.memory_space<vmem>>
    %dma_start3A_160 = tpu.memref_squeeze %dma_start3A_159 : memref<1x128xi32, #tpu.memory_space<vmem>> -> memref<128xi32, #tpu.memory_space<vmem>>
    %dma_start3A_161 = arith.constant 0 : i32
    %dma_start3A_162 = arith.constant 0 : i32
    %dma_start3A_163 = tpu.memref_slice %arg2[%dma_start3A_161, %dma_start3A_162] : memref<65536x8xf32, #tpu.memory_space<hbm>> -> memref<65536x8xf32, #tpu.memory_space<hbm>>
    tpu.enqueue_indirect_dma source(%dma_start3A_163 : memref<65536x8xf32, #tpu.memory_space<hbm>>) target(%dma_start3A_157 : memref<128x8xf32, #tpu.memory_space<vmem>>) offsets(%dma_start3A_160 : memref<128xi32, #tpu.memory_space<vmem>>) semaphore(%arg7 : memref<!tpu.dma_semaphore, #tpu.memory_space<semaphore_mem>>)
    %dma_wait3A = arith.constant 0 : i32
    %dma_wait3A_164 = arith.constant 0 : i32
    %dma_wait3A_165 = arith.constant 0 : i32
    %dma_wait3A_166 = tpu.memref_slice %arg6[%dma_wait3A_164, %dma_wait3A_165] : memref<2048x8xf32, #tpu.memory_space<vmem>> -> memref<128x8xf32, #tpu.memory_space<vmem>>
    %dma_wait3A_167 = arith.constant 0 : i32
    %dma_wait3A_168 = tpu.memref_slice %arg5[%dma_wait3A, %dma_wait3A_167] : memref<16x128xi32, #tpu.memory_space<vmem>> -> memref<1x128xi32, #tpu.memory_space<vmem>>
    %dma_wait3A_169 = tpu.memref_squeeze %dma_wait3A_168 : memref<1x128xi32, #tpu.memory_space<vmem>> -> memref<128xi32, #tpu.memory_space<vmem>>
    %dma_wait3A_170 = arith.constant 0 : i32
    %dma_wait3A_171 = arith.constant 0 : i32
    %dma_wait3A_172 = tpu.memref_slice %arg2[%dma_wait3A_170, %dma_wait3A_171] : memref<65536x8xf32, #tpu.memory_space<hbm>> -> memref<65536x8xf32, #tpu.memory_space<hbm>>
    tpu.wait_indirect_dma semaphore(%arg7 : memref<!tpu.dma_semaphore, #tpu.memory_space<semaphore_mem>>) src(%dma_wait3A_172 : memref<65536x8xf32, #tpu.memory_space<hbm>>) dst(%dma_wait3A_166 : memref<128x8xf32, #tpu.memory_space<vmem>>)
    %dma_wait3A_173 = arith.constant 1 : i32
    %dma_wait3A_174 = arith.constant 128 : i32
    %dma_wait3A_175 = arith.constant 0 : i32
    %dma_wait3A_176 = tpu.memref_slice %arg6[%dma_wait3A_174, %dma_wait3A_175] : memref<2048x8xf32, #tpu.memory_space<vmem>> -> memref<128x8xf32, #tpu.memory_space<vmem>>
    %dma_wait3A_177 = arith.constant 0 : i32
    %dma_wait3A_178 = tpu.memref_slice %arg5[%dma_wait3A_173, %dma_wait3A_177] : memref<16x128xi32, #tpu.memory_space<vmem>> -> memref<1x128xi32, #tpu.memory_space<vmem>>
    %dma_wait3A_179 = tpu.memref_squeeze %dma_wait3A_178 : memref<1x128xi32, #tpu.memory_space<vmem>> -> memref<128xi32, #tpu.memory_space<vmem>>
    %dma_wait3A_180 = arith.constant 0 : i32
    %dma_wait3A_181 = arith.constant 0 : i32
    %dma_wait3A_182 = tpu.memref_slice %arg2[%dma_wait3A_180, %dma_wait3A_181] : memref<65536x8xf32, #tpu.memory_space<hbm>> -> memref<65536x8xf32, #tpu.memory_space<hbm>>
    tpu.wait_indirect_dma semaphore(%arg7 : memref<!tpu.dma_semaphore, #tpu.memory_space<semaphore_mem>>) src(%dma_wait3A_182 : memref<65536x8xf32, #tpu.memory_space<hbm>>) dst(%dma_wait3A_176 : memref<128x8xf32, #tpu.memory_space<vmem>>)
    %dma_wait3A_183 = arith.constant 2 : i32
    %dma_wait3A_184 = arith.constant 256 : i32
    %dma_wait3A_185 = arith.constant 0 : i32
    %dma_wait3A_186 = tpu.memref_slice %arg6[%dma_wait3A_184, %dma_wait3A_185] : memref<2048x8xf32, #tpu.memory_space<vmem>> -> memref<128x8xf32, #tpu.memory_space<vmem>>
    %dma_wait3A_187 = arith.constant 0 : i32
    %dma_wait3A_188 = tpu.memref_slice %arg5[%dma_wait3A_183, %dma_wait3A_187] : memref<16x128xi32, #tpu.memory_space<vmem>> -> memref<1x128xi32, #tpu.memory_space<vmem>>
    %dma_wait3A_189 = tpu.memref_squeeze %dma_wait3A_188 : memref<1x128xi32, #tpu.memory_space<vmem>> -> memref<128xi32, #tpu.memory_space<vmem>>
    %dma_wait3A_190 = arith.constant 0 : i32
    %dma_wait3A_191 = arith.constant 0 : i32
    %dma_wait3A_192 = tpu.memref_slice %arg2[%dma_wait3A_190, %dma_wait3A_191] : memref<65536x8xf32, #tpu.memory_space<hbm>> -> memref<65536x8xf32, #tpu.memory_space<hbm>>
    tpu.wait_indirect_dma semaphore(%arg7 : memref<!tpu.dma_semaphore, #tpu.memory_space<semaphore_mem>>) src(%dma_wait3A_192 : memref<65536x8xf32, #tpu.memory_space<hbm>>) dst(%dma_wait3A_186 : memref<128x8xf32, #tpu.memory_space<vmem>>)
    %dma_wait3A_193 = arith.constant 3 : i32
    %dma_wait3A_194 = arith.constant 384 : i32
    %dma_wait3A_195 = arith.constant 0 : i32
    %dma_wait3A_196 = tpu.memref_slice %arg6[%dma_wait3A_194, %dma_wait3A_195] : memref<2048x8xf32, #tpu.memory_space<vmem>> -> memref<128x8xf32, #tpu.memory_space<vmem>>
    %dma_wait3A_197 = arith.constant 0 : i32
    %dma_wait3A_198 = tpu.memref_slice %arg5[%dma_wait3A_193, %dma_wait3A_197] : memref<16x128xi32, #tpu.memory_space<vmem>> -> memref<1x128xi32, #tpu.memory_space<vmem>>
    %dma_wait3A_199 = tpu.memref_squeeze %dma_wait3A_198 : memref<1x128xi32, #tpu.memory_space<vmem>> -> memref<128xi32, #tpu.memory_space<vmem>>
    %dma_wait3A_200 = arith.constant 0 : i32
    %dma_wait3A_201 = arith.constant 0 : i32
    %dma_wait3A_202 = tpu.memref_slice %arg2[%dma_wait3A_200, %dma_wait3A_201] : memref<65536x8xf32, #tpu.memory_space<hbm>> -> memref<65536x8xf32, #tpu.memory_space<hbm>>
    tpu.wait_indirect_dma semaphore(%arg7 : memref<!tpu.dma_semaphore, #tpu.memory_space<semaphore_mem>>) src(%dma_wait3A_202 : memref<65536x8xf32, #tpu.memory_space<hbm>>) dst(%dma_wait3A_196 : memref<128x8xf32, #tpu.memory_space<vmem>>)
    %dma_wait3A_203 = arith.constant 4 : i32
    %dma_wait3A_204 = arith.constant 512 : i32
    %dma_wait3A_205 = arith.constant 0 : i32
    %dma_wait3A_206 = tpu.memref_slice %arg6[%dma_wait3A_204, %dma_wait3A_205] : memref<2048x8xf32, #tpu.memory_space<vmem>> -> memref<128x8xf32, #tpu.memory_space<vmem>>
    %dma_wait3A_207 = arith.constant 0 : i32
    %dma_wait3A_208 = tpu.memref_slice %arg5[%dma_wait3A_203, %dma_wait3A_207] : memref<16x128xi32, #tpu.memory_space<vmem>> -> memref<1x128xi32, #tpu.memory_space<vmem>>
    %dma_wait3A_209 = tpu.memref_squeeze %dma_wait3A_208 : memref<1x128xi32, #tpu.memory_space<vmem>> -> memref<128xi32, #tpu.memory_space<vmem>>
    %dma_wait3A_210 = arith.constant 0 : i32
    %dma_wait3A_211 = arith.constant 0 : i32
    %dma_wait3A_212 = tpu.memref_slice %arg2[%dma_wait3A_210, %dma_wait3A_211] : memref<65536x8xf32, #tpu.memory_space<hbm>> -> memref<65536x8xf32, #tpu.memory_space<hbm>>
    tpu.wait_indirect_dma semaphore(%arg7 : memref<!tpu.dma_semaphore, #tpu.memory_space<semaphore_mem>>) src(%dma_wait3A_212 : memref<65536x8xf32, #tpu.memory_space<hbm>>) dst(%dma_wait3A_206 : memref<128x8xf32, #tpu.memory_space<vmem>>)
    %dma_wait3A_213 = arith.constant 5 : i32
    %dma_wait3A_214 = arith.constant 640 : i32
    %dma_wait3A_215 = arith.constant 0 : i32
    %dma_wait3A_216 = tpu.memref_slice %arg6[%dma_wait3A_214, %dma_wait3A_215] : memref<2048x8xf32, #tpu.memory_space<vmem>> -> memref<128x8xf32, #tpu.memory_space<vmem>>
    %dma_wait3A_217 = arith.constant 0 : i32
    %dma_wait3A_218 = tpu.memref_slice %arg5[%dma_wait3A_213, %dma_wait3A_217] : memref<16x128xi32, #tpu.memory_space<vmem>> -> memref<1x128xi32, #tpu.memory_space<vmem>>
    %dma_wait3A_219 = tpu.memref_squeeze %dma_wait3A_218 : memref<1x128xi32, #tpu.memory_space<vmem>> -> memref<128xi32, #tpu.memory_space<vmem>>
    %dma_wait3A_220 = arith.constant 0 : i32
    %dma_wait3A_221 = arith.constant 0 : i32
    %dma_wait3A_222 = tpu.memref_slice %arg2[%dma_wait3A_220, %dma_wait3A_221] : memref<65536x8xf32, #tpu.memory_space<hbm>> -> memref<65536x8xf32, #tpu.memory_space<hbm>>
    tpu.wait_indirect_dma semaphore(%arg7 : memref<!tpu.dma_semaphore, #tpu.memory_space<semaphore_mem>>) src(%dma_wait3A_222 : memref<65536x8xf32, #tpu.memory_space<hbm>>) dst(%dma_wait3A_216 : memref<128x8xf32, #tpu.memory_space<vmem>>)
    %dma_wait3A_223 = arith.constant 6 : i32
    %dma_wait3A_224 = arith.constant 768 : i32
    %dma_wait3A_225 = arith.constant 0 : i32
    %dma_wait3A_226 = tpu.memref_slice %arg6[%dma_wait3A_224, %dma_wait3A_225] : memref<2048x8xf32, #tpu.memory_space<vmem>> -> memref<128x8xf32, #tpu.memory_space<vmem>>
    %dma_wait3A_227 = arith.constant 0 : i32
    %dma_wait3A_228 = tpu.memref_slice %arg5[%dma_wait3A_223, %dma_wait3A_227] : memref<16x128xi32, #tpu.memory_space<vmem>> -> memref<1x128xi32, #tpu.memory_space<vmem>>
    %dma_wait3A_229 = tpu.memref_squeeze %dma_wait3A_228 : memref<1x128xi32, #tpu.memory_space<vmem>> -> memref<128xi32, #tpu.memory_space<vmem>>
    %dma_wait3A_230 = arith.constant 0 : i32
    %dma_wait3A_231 = arith.constant 0 : i32
    %dma_wait3A_232 = tpu.memref_slice %arg2[%dma_wait3A_230, %dma_wait3A_231] : memref<65536x8xf32, #tpu.memory_space<hbm>> -> memref<65536x8xf32, #tpu.memory_space<hbm>>
    tpu.wait_indirect_dma semaphore(%arg7 : memref<!tpu.dma_semaphore, #tpu.memory_space<semaphore_mem>>) src(%dma_wait3A_232 : memref<65536x8xf32, #tpu.memory_space<hbm>>) dst(%dma_wait3A_226 : memref<128x8xf32, #tpu.memory_space<vmem>>)
    %dma_wait3A_233 = arith.constant 7 : i32
    %dma_wait3A_234 = arith.constant 896 : i32
    %dma_wait3A_235 = arith.constant 0 : i32
    %dma_wait3A_236 = tpu.memref_slice %arg6[%dma_wait3A_234, %dma_wait3A_235] : memref<2048x8xf32, #tpu.memory_space<vmem>> -> memref<128x8xf32, #tpu.memory_space<vmem>>
    %dma_wait3A_237 = arith.constant 0 : i32
    %dma_wait3A_238 = tpu.memref_slice %arg5[%dma_wait3A_233, %dma_wait3A_237] : memref<16x128xi32, #tpu.memory_space<vmem>> -> memref<1x128xi32, #tpu.memory_space<vmem>>
    %dma_wait3A_239 = tpu.memref_squeeze %dma_wait3A_238 : memref<1x128xi32, #tpu.memory_space<vmem>> -> memref<128xi32, #tpu.memory_space<vmem>>
    %dma_wait3A_240 = arith.constant 0 : i32
    %dma_wait3A_241 = arith.constant 0 : i32
    %dma_wait3A_242 = tpu.memref_slice %arg2[%dma_wait3A_240, %dma_wait3A_241] : memref<65536x8xf32, #tpu.memory_space<hbm>> -> memref<65536x8xf32, #tpu.memory_space<hbm>>
    tpu.wait_indirect_dma semaphore(%arg7 : memref<!tpu.dma_semaphore, #tpu.memory_space<semaphore_mem>>) src(%dma_wait3A_242 : memref<65536x8xf32, #tpu.memory_space<hbm>>) dst(%dma_wait3A_236 : memref<128x8xf32, #tpu.memory_space<vmem>>)
    %dma_wait3A_243 = arith.constant 8 : i32
    %dma_wait3A_244 = arith.constant 1024 : i32
    %dma_wait3A_245 = arith.constant 0 : i32
    %dma_wait3A_246 = tpu.memref_slice %arg6[%dma_wait3A_244, %dma_wait3A_245] : memref<2048x8xf32, #tpu.memory_space<vmem>> -> memref<128x8xf32, #tpu.memory_space<vmem>>
    %dma_wait3A_247 = arith.constant 0 : i32
    %dma_wait3A_248 = tpu.memref_slice %arg5[%dma_wait3A_243, %dma_wait3A_247] : memref<16x128xi32, #tpu.memory_space<vmem>> -> memref<1x128xi32, #tpu.memory_space<vmem>>
    %dma_wait3A_249 = tpu.memref_squeeze %dma_wait3A_248 : memref<1x128xi32, #tpu.memory_space<vmem>> -> memref<128xi32, #tpu.memory_space<vmem>>
    %dma_wait3A_250 = arith.constant 0 : i32
    %dma_wait3A_251 = arith.constant 0 : i32
    %dma_wait3A_252 = tpu.memref_slice %arg2[%dma_wait3A_250, %dma_wait3A_251] : memref<65536x8xf32, #tpu.memory_space<hbm>> -> memref<65536x8xf32, #tpu.memory_space<hbm>>
    tpu.wait_indirect_dma semaphore(%arg7 : memref<!tpu.dma_semaphore, #tpu.memory_space<semaphore_mem>>) src(%dma_wait3A_252 : memref<65536x8xf32, #tpu.memory_space<hbm>>) dst(%dma_wait3A_246 : memref<128x8xf32, #tpu.memory_space<vmem>>)
    %dma_wait3A_253 = arith.constant 9 : i32
    %dma_wait3A_254 = arith.constant 1152 : i32
    %dma_wait3A_255 = arith.constant 0 : i32
    %dma_wait3A_256 = tpu.memref_slice %arg6[%dma_wait3A_254, %dma_wait3A_255] : memref<2048x8xf32, #tpu.memory_space<vmem>> -> memref<128x8xf32, #tpu.memory_space<vmem>>
    %dma_wait3A_257 = arith.constant 0 : i32
    %dma_wait3A_258 = tpu.memref_slice %arg5[%dma_wait3A_253, %dma_wait3A_257] : memref<16x128xi32, #tpu.memory_space<vmem>> -> memref<1x128xi32, #tpu.memory_space<vmem>>
    %dma_wait3A_259 = tpu.memref_squeeze %dma_wait3A_258 : memref<1x128xi32, #tpu.memory_space<vmem>> -> memref<128xi32, #tpu.memory_space<vmem>>
    %dma_wait3A_260 = arith.constant 0 : i32
    %dma_wait3A_261 = arith.constant 0 : i32
    %dma_wait3A_262 = tpu.memref_slice %arg2[%dma_wait3A_260, %dma_wait3A_261] : memref<65536x8xf32, #tpu.memory_space<hbm>> -> memref<65536x8xf32, #tpu.memory_space<hbm>>
    tpu.wait_indirect_dma semaphore(%arg7 : memref<!tpu.dma_semaphore, #tpu.memory_space<semaphore_mem>>) src(%dma_wait3A_262 : memref<65536x8xf32, #tpu.memory_space<hbm>>) dst(%dma_wait3A_256 : memref<128x8xf32, #tpu.memory_space<vmem>>)
    %dma_wait3A_263 = arith.constant 10 : i32
    %dma_wait3A_264 = arith.constant 1280 : i32
    %dma_wait3A_265 = arith.constant 0 : i32
    %dma_wait3A_266 = tpu.memref_slice %arg6[%dma_wait3A_264, %dma_wait3A_265] : memref<2048x8xf32, #tpu.memory_space<vmem>> -> memref<128x8xf32, #tpu.memory_space<vmem>>
    %dma_wait3A_267 = arith.constant 0 : i32
    %dma_wait3A_268 = tpu.memref_slice %arg5[%dma_wait3A_263, %dma_wait3A_267] : memref<16x128xi32, #tpu.memory_space<vmem>> -> memref<1x128xi32, #tpu.memory_space<vmem>>
    %dma_wait3A_269 = tpu.memref_squeeze %dma_wait3A_268 : memref<1x128xi32, #tpu.memory_space<vmem>> -> memref<128xi32, #tpu.memory_space<vmem>>
    %dma_wait3A_270 = arith.constant 0 : i32
    %dma_wait3A_271 = arith.constant 0 : i32
    %dma_wait3A_272 = tpu.memref_slice %arg2[%dma_wait3A_270, %dma_wait3A_271] : memref<65536x8xf32, #tpu.memory_space<hbm>> -> memref<65536x8xf32, #tpu.memory_space<hbm>>
    tpu.wait_indirect_dma semaphore(%arg7 : memref<!tpu.dma_semaphore, #tpu.memory_space<semaphore_mem>>) src(%dma_wait3A_272 : memref<65536x8xf32, #tpu.memory_space<hbm>>) dst(%dma_wait3A_266 : memref<128x8xf32, #tpu.memory_space<vmem>>)
    %dma_wait3A_273 = arith.constant 11 : i32
    %dma_wait3A_274 = arith.constant 1408 : i32
    %dma_wait3A_275 = arith.constant 0 : i32
    %dma_wait3A_276 = tpu.memref_slice %arg6[%dma_wait3A_274, %dma_wait3A_275] : memref<2048x8xf32, #tpu.memory_space<vmem>> -> memref<128x8xf32, #tpu.memory_space<vmem>>
    %dma_wait3A_277 = arith.constant 0 : i32
    %dma_wait3A_278 = tpu.memref_slice %arg5[%dma_wait3A_273, %dma_wait3A_277] : memref<16x128xi32, #tpu.memory_space<vmem>> -> memref<1x128xi32, #tpu.memory_space<vmem>>
    %dma_wait3A_279 = tpu.memref_squeeze %dma_wait3A_278 : memref<1x128xi32, #tpu.memory_space<vmem>> -> memref<128xi32, #tpu.memory_space<vmem>>
    %dma_wait3A_280 = arith.constant 0 : i32
    %dma_wait3A_281 = arith.constant 0 : i32
    %dma_wait3A_282 = tpu.memref_slice %arg2[%dma_wait3A_280, %dma_wait3A_281] : memref<65536x8xf32, #tpu.memory_space<hbm>> -> memref<65536x8xf32, #tpu.memory_space<hbm>>
    tpu.wait_indirect_dma semaphore(%arg7 : memref<!tpu.dma_semaphore, #tpu.memory_space<semaphore_mem>>) src(%dma_wait3A_282 : memref<65536x8xf32, #tpu.memory_space<hbm>>) dst(%dma_wait3A_276 : memref<128x8xf32, #tpu.memory_space<vmem>>)
    %dma_wait3A_283 = arith.constant 12 : i32
    %dma_wait3A_284 = arith.constant 1536 : i32
    %dma_wait3A_285 = arith.constant 0 : i32
    %dma_wait3A_286 = tpu.memref_slice %arg6[%dma_wait3A_284, %dma_wait3A_285] : memref<2048x8xf32, #tpu.memory_space<vmem>> -> memref<128x8xf32, #tpu.memory_space<vmem>>
    %dma_wait3A_287 = arith.constant 0 : i32
    %dma_wait3A_288 = tpu.memref_slice %arg5[%dma_wait3A_283, %dma_wait3A_287] : memref<16x128xi32, #tpu.memory_space<vmem>> -> memref<1x128xi32, #tpu.memory_space<vmem>>
    %dma_wait3A_289 = tpu.memref_squeeze %dma_wait3A_288 : memref<1x128xi32, #tpu.memory_space<vmem>> -> memref<128xi32, #tpu.memory_space<vmem>>
    %dma_wait3A_290 = arith.constant 0 : i32
    %dma_wait3A_291 = arith.constant 0 : i32
    %dma_wait3A_292 = tpu.memref_slice %arg2[%dma_wait3A_290, %dma_wait3A_291] : memref<65536x8xf32, #tpu.memory_space<hbm>> -> memref<65536x8xf32, #tpu.memory_space<hbm>>
    tpu.wait_indirect_dma semaphore(%arg7 : memref<!tpu.dma_semaphore, #tpu.memory_space<semaphore_mem>>) src(%dma_wait3A_292 : memref<65536x8xf32, #tpu.memory_space<hbm>>) dst(%dma_wait3A_286 : memref<128x8xf32, #tpu.memory_space<vmem>>)
    %dma_wait3A_293 = arith.constant 13 : i32
    %dma_wait3A_294 = arith.constant 1664 : i32
    %dma_wait3A_295 = arith.constant 0 : i32
    %dma_wait3A_296 = tpu.memref_slice %arg6[%dma_wait3A_294, %dma_wait3A_295] : memref<2048x8xf32, #tpu.memory_space<vmem>> -> memref<128x8xf32, #tpu.memory_space<vmem>>
    %dma_wait3A_297 = arith.constant 0 : i32
    %dma_wait3A_298 = tpu.memref_slice %arg5[%dma_wait3A_293, %dma_wait3A_297] : memref<16x128xi32, #tpu.memory_space<vmem>> -> memref<1x128xi32, #tpu.memory_space<vmem>>
    %dma_wait3A_299 = tpu.memref_squeeze %dma_wait3A_298 : memref<1x128xi32, #tpu.memory_space<vmem>> -> memref<128xi32, #tpu.memory_space<vmem>>
    %dma_wait3A_300 = arith.constant 0 : i32
    %dma_wait3A_301 = arith.constant 0 : i32
    %dma_wait3A_302 = tpu.memref_slice %arg2[%dma_wait3A_300, %dma_wait3A_301] : memref<65536x8xf32, #tpu.memory_space<hbm>> -> memref<65536x8xf32, #tpu.memory_space<hbm>>
    tpu.wait_indirect_dma semaphore(%arg7 : memref<!tpu.dma_semaphore, #tpu.memory_space<semaphore_mem>>) src(%dma_wait3A_302 : memref<65536x8xf32, #tpu.memory_space<hbm>>) dst(%dma_wait3A_296 : memref<128x8xf32, #tpu.memory_space<vmem>>)
    %dma_wait3A_303 = arith.constant 14 : i32
    %dma_wait3A_304 = arith.constant 1792 : i32
    %dma_wait3A_305 = arith.constant 0 : i32
    %dma_wait3A_306 = tpu.memref_slice %arg6[%dma_wait3A_304, %dma_wait3A_305] : memref<2048x8xf32, #tpu.memory_space<vmem>> -> memref<128x8xf32, #tpu.memory_space<vmem>>
    %dma_wait3A_307 = arith.constant 0 : i32
    %dma_wait3A_308 = tpu.memref_slice %arg5[%dma_wait3A_303, %dma_wait3A_307] : memref<16x128xi32, #tpu.memory_space<vmem>> -> memref<1x128xi32, #tpu.memory_space<vmem>>
    %dma_wait3A_309 = tpu.memref_squeeze %dma_wait3A_308 : memref<1x128xi32, #tpu.memory_space<vmem>> -> memref<128xi32, #tpu.memory_space<vmem>>
    %dma_wait3A_310 = arith.constant 0 : i32
    %dma_wait3A_311 = arith.constant 0 : i32
    %dma_wait3A_312 = tpu.memref_slice %arg2[%dma_wait3A_310, %dma_wait3A_311] : memref<65536x8xf32, #tpu.memory_space<hbm>> -> memref<65536x8xf32, #tpu.memory_space<hbm>>
    tpu.wait_indirect_dma semaphore(%arg7 : memref<!tpu.dma_semaphore, #tpu.memory_space<semaphore_mem>>) src(%dma_wait3A_312 : memref<65536x8xf32, #tpu.memory_space<hbm>>) dst(%dma_wait3A_306 : memref<128x8xf32, #tpu.memory_space<vmem>>)
    %dma_wait3A_313 = arith.constant 15 : i32
    %dma_wait3A_314 = arith.constant 1920 : i32
    %dma_wait3A_315 = arith.constant 0 : i32
    %dma_wait3A_316 = tpu.memref_slice %arg6[%dma_wait3A_314, %dma_wait3A_315] : memref<2048x8xf32, #tpu.memory_space<vmem>> -> memref<128x8xf32, #tpu.memory_space<vmem>>
    %dma_wait3A_317 = arith.constant 0 : i32
    %dma_wait3A_318 = tpu.memref_slice %arg5[%dma_wait3A_313, %dma_wait3A_317] : memref<16x128xi32, #tpu.memory_space<vmem>> -> memref<1x128xi32, #tpu.memory_space<vmem>>
    %dma_wait3A_319 = tpu.memref_squeeze %dma_wait3A_318 : memref<1x128xi32, #tpu.memory_space<vmem>> -> memref<128xi32, #tpu.memory_space<vmem>>
    %dma_wait3A_320 = arith.constant 0 : i32
    %dma_wait3A_321 = arith.constant 0 : i32
    %dma_wait3A_322 = tpu.memref_slice %arg2[%dma_wait3A_320, %dma_wait3A_321] : memref<65536x8xf32, #tpu.memory_space<hbm>> -> memref<65536x8xf32, #tpu.memory_space<hbm>>
    tpu.wait_indirect_dma semaphore(%arg7 : memref<!tpu.dma_semaphore, #tpu.memory_space<semaphore_mem>>) src(%dma_wait3A_322 : memref<65536x8xf32, #tpu.memory_space<hbm>>) dst(%dma_wait3A_316 : memref<128x8xf32, #tpu.memory_space<vmem>>)
    "tpu.region"() ({
      %run_scoped3A = tpu.sem_alloc : memref<!tpu.dma_semaphore, #tpu.memory_space<semaphore_mem>>
      %dma_start3A_323 = arith.constant 0 : i32
      %dma_start3A_324 = tpu.memref_slice %arg4[%mul3A_2, %dma_start3A_323] : memref<65536x8xf32, #tpu.memory_space<hbm>> -> memref<2048x8xf32, #tpu.memory_space<hbm>>
      %dma_start3A_325 = arith.constant 0 : i32
      %dma_start3A_326 = tpu.memref_slice %arg4[%mul3A_2, %dma_start3A_325] : memref<65536x8xf32, #tpu.memory_space<hbm>> -> memref<2048x8xf32, #tpu.memory_space<hbm>>
      tpu.enqueue_dma source(%arg6 : memref<2048x8xf32, #tpu.memory_space<vmem>>) target(%dma_start3A_326 : memref<2048x8xf32, #tpu.memory_space<hbm>>) target_semaphore(%run_scoped3A : memref<!tpu.dma_semaphore, #tpu.memory_space<semaphore_mem>>)
      %dma_wait3A_327 = arith.constant 0 : i32
      %dma_wait3A_328 = tpu.memref_slice %arg4[%mul3A_2, %dma_wait3A_327] : memref<65536x8xf32, #tpu.memory_space<hbm>> -> memref<2048x8xf32, #tpu.memory_space<hbm>>
      %dma_wait3A_329 = arith.constant 0 : i32
      %dma_wait3A_330 = tpu.memref_slice %arg4[%mul3A_2, %dma_wait3A_329] : memref<65536x8xf32, #tpu.memory_space<hbm>> -> memref<2048x8xf32, #tpu.memory_space<hbm>>
      tpu.wait_dma2 semaphore(%run_scoped3A : memref<!tpu.dma_semaphore, #tpu.memory_space<semaphore_mem>>) src(%arg6 : memref<2048x8xf32, #tpu.memory_space<vmem>>) dst(%dma_wait3A_330 : memref<2048x8xf32, #tpu.memory_space<hbm>>)
      tpu.yield
    }) : () -> ()
    return
  }
}

module attributes {stable_mosaic.version = 14 : i64} {
  func.func @_fps_body(%arg0: memref<8x8192xf32, #tpu.memory_space<vmem>>, %arg1: memref<8x8192xf32, #tpu.memory_space<vmem>>, %arg2: memref<8x8192xf32, #tpu.memory_space<vmem>>, %arg3: memref<8x256xf32, #tpu.memory_space<vmem>>, %arg4: memref<8x256xf32, #tpu.memory_space<vmem>>, %arg5: memref<8x256xf32, #tpu.memory_space<vmem>>) attributes {dimension_semantics = [], scalar_prefetch = 0 : i64, scratch_operands = 0 : i64, tpu.core_type = #tpu.core_type<tc>} {
    %get3A = arith.constant 0 : index
    %get3A_0 = arith.constant 0 : index
    %get3A_1 = vector.load %arg0[%get3A, %get3A_0] : memref<8x8192xf32, #tpu.memory_space<vmem>>, vector<8x8192xf32>
    %get3A_2 = arith.constant 0 : index
    %get3A_3 = arith.constant 0 : index
    %get3A_4 = vector.load %arg1[%get3A_2, %get3A_3] : memref<8x8192xf32, #tpu.memory_space<vmem>>, vector<8x8192xf32>
    %get3A_5 = arith.constant 0 : index
    %get3A_6 = arith.constant 0 : index
    %get3A_7 = vector.load %arg2[%get3A_5, %get3A_6] : memref<8x8192xf32, #tpu.memory_space<vmem>>, vector<8x8192xf32>
    %iota3A = tpu.iota {dimensions = array<i32: 1>} : vector<8x8192xi32>
    %iota3A_8 = tpu.iota {dimensions = array<i32: 1>} : vector<8x256xi32>
    %broadcast_in_dim3A = arith.constant 1.000000e+10 : f32
    %broadcast_in_dim3A_9 = vector.broadcast %broadcast_in_dim3A : f32 to vector<8x8192xf32>
    %broadcast_in_dim3A_10 = arith.constant 0 : i32
    %broadcast_in_dim3A_11 = vector.broadcast %broadcast_in_dim3A_10 : i32 to vector<8x1xi32>
    %broadcast_in_dim3A_12 = arith.constant 0.000000e+00 : f32
    %broadcast_in_dim3A_13 = vector.broadcast %broadcast_in_dim3A_12 : f32 to vector<8x256xf32>
    %broadcast_in_dim3A_14 = arith.constant 0.000000e+00 : f32
    %broadcast_in_dim3A_15 = vector.broadcast %broadcast_in_dim3A_14 : f32 to vector<8x256xf32>
    %broadcast_in_dim3A_16 = arith.constant 0.000000e+00 : f32
    %broadcast_in_dim3A_17 = vector.broadcast %broadcast_in_dim3A_16 : f32 to vector<8x256xf32>
    %scan3A = arith.constant 0 : i32
    %scan3A_18 = arith.constant 256 : i32
    %scan3A_19 = arith.addi %scan3A, %scan3A_18 : i32
    %scan3A_20 = arith.constant 1 : i32
    %scan3A_21:5 = scf.for %scan3A_31 = %scan3A to %scan3A_19 step %scan3A_20 iter_args(%scan3A_32 = %broadcast_in_dim3A_9, %scan3A_33 = %broadcast_in_dim3A_11, %scan3A_34 = %broadcast_in_dim3A_13, %scan3A_35 = %broadcast_in_dim3A_15, %scan3A_36 = %broadcast_in_dim3A_17) -> (vector<8x8192xf32>, vector<8x1xi32>, vector<8x256xf32>, vector<8x256xf32>, vector<8x256xf32>)  : i32 {
      %eq3A = vector.broadcast %scan3A_33 : vector<8x1xi32> to vector<8x8192xi32>
      %eq3A_37 = arith.cmpi eq, %iota3A, %eq3A : vector<8x8192xi32>
      %jit3A = arith.constant 0.000000e+00 : f32
      %broadcast_in_dim3A_38 = vector.broadcast %jit3A : f32 to vector<8x8192xf32>
      %select_n3A = arith.select %eq3A_37, %get3A_1, %broadcast_in_dim3A_38 : vector<8x8192xi1>, vector<8x8192xf32>
      %reduce_sum3A = arith.constant dense<0.000000e+00> : vector<8xf32>
      %reduce_sum3A_39 = vector.multi_reduction <add>, %select_n3A, %reduce_sum3A [1] : vector<8x8192xf32> to vector<8xf32>
      %broadcast_in_dim3A_40 = vector.shape_cast %reduce_sum3A_39 : vector<8xf32> to vector<8x1xf32>
      %jit3A_41 = arith.constant 0.000000e+00 : f32
      %broadcast_in_dim3A_42 = vector.broadcast %jit3A_41 : f32 to vector<8x8192xf32>
      %select_n3A_43 = arith.select %eq3A_37, %get3A_4, %broadcast_in_dim3A_42 : vector<8x8192xi1>, vector<8x8192xf32>
      %reduce_sum3A_44 = arith.constant dense<0.000000e+00> : vector<8xf32>
      %reduce_sum3A_45 = vector.multi_reduction <add>, %select_n3A_43, %reduce_sum3A_44 [1] : vector<8x8192xf32> to vector<8xf32>
      %broadcast_in_dim3A_46 = vector.shape_cast %reduce_sum3A_45 : vector<8xf32> to vector<8x1xf32>
      %jit3A_47 = arith.constant 0.000000e+00 : f32
      %broadcast_in_dim3A_48 = vector.broadcast %jit3A_47 : f32 to vector<8x8192xf32>
      %select_n3A_49 = arith.select %eq3A_37, %get3A_7, %broadcast_in_dim3A_48 : vector<8x8192xi1>, vector<8x8192xf32>
      %reduce_sum3A_50 = arith.constant dense<0.000000e+00> : vector<8xf32>
      %reduce_sum3A_51 = vector.multi_reduction <add>, %select_n3A_49, %reduce_sum3A_50 [1] : vector<8x8192xf32> to vector<8xf32>
      %broadcast_in_dim3A_52 = vector.shape_cast %reduce_sum3A_51 : vector<8xf32> to vector<8x1xf32>
      %eq3A_53 = vector.broadcast %scan3A_31 : i32 to vector<8x256xi32>
      %eq3A_54 = arith.cmpi eq, %iota3A_8, %eq3A_53 : vector<8x256xi32>
      %broadcast_in_dim3A_55 = vector.shape_cast %broadcast_in_dim3A_40 : vector<8x1xf32> to vector<8x1xf32>
      %broadcast_in_dim3A_56 = vector.broadcast %broadcast_in_dim3A_55 : vector<8x1xf32> to vector<8x256xf32>
      %select_n3A_57 = arith.select %eq3A_54, %broadcast_in_dim3A_56, %scan3A_34 : vector<8x256xi1>, vector<8x256xf32>
      %broadcast_in_dim3A_58 = vector.shape_cast %broadcast_in_dim3A_46 : vector<8x1xf32> to vector<8x1xf32>
      %broadcast_in_dim3A_59 = vector.broadcast %broadcast_in_dim3A_58 : vector<8x1xf32> to vector<8x256xf32>
      %select_n3A_60 = arith.select %eq3A_54, %broadcast_in_dim3A_59, %scan3A_35 : vector<8x256xi1>, vector<8x256xf32>
      %broadcast_in_dim3A_61 = vector.shape_cast %broadcast_in_dim3A_52 : vector<8x1xf32> to vector<8x1xf32>
      %broadcast_in_dim3A_62 = vector.broadcast %broadcast_in_dim3A_61 : vector<8x1xf32> to vector<8x256xf32>
      %select_n3A_63 = arith.select %eq3A_54, %broadcast_in_dim3A_62, %scan3A_36 : vector<8x256xi1>, vector<8x256xf32>
      %sub3A = vector.broadcast %broadcast_in_dim3A_40 : vector<8x1xf32> to vector<8x8192xf32>
      %sub3A_64 = arith.subf %get3A_1, %sub3A : vector<8x8192xf32>
      %integer_pow3A = arith.mulf %sub3A_64, %sub3A_64 : vector<8x8192xf32>
      %sub3A_65 = vector.broadcast %broadcast_in_dim3A_46 : vector<8x1xf32> to vector<8x8192xf32>
      %sub3A_66 = arith.subf %get3A_4, %sub3A_65 : vector<8x8192xf32>
      %integer_pow3A_67 = arith.mulf %sub3A_66, %sub3A_66 : vector<8x8192xf32>
      %add3A = arith.addf %integer_pow3A, %integer_pow3A_67 : vector<8x8192xf32>
      %sub3A_68 = vector.broadcast %broadcast_in_dim3A_52 : vector<8x1xf32> to vector<8x8192xf32>
      %sub3A_69 = arith.subf %get3A_7, %sub3A_68 : vector<8x8192xf32>
      %integer_pow3A_70 = arith.mulf %sub3A_69, %sub3A_69 : vector<8x8192xf32>
      %add3A_71 = arith.addf %add3A, %integer_pow3A_70 : vector<8x8192xf32>
      %min3A = arith.minimumf %scan3A_32, %add3A_71 : vector<8x8192xf32>
      %argmax3A = tpu.reduce_index %min3A {axis = 1 : i32, kind = #tpu.reduction_kind<arg_max>} : vector<8x8192xf32> -> vector<8xi32>
      %broadcast_in_dim3A_72 = vector.shape_cast %argmax3A : vector<8xi32> to vector<8x1xi32>
      scf.yield %min3A, %broadcast_in_dim3A_72, %select_n3A_57, %select_n3A_60, %select_n3A_63 : vector<8x8192xf32>, vector<8x1xi32>, vector<8x256xf32>, vector<8x256xf32>, vector<8x256xf32>
    }
    %scan3A_22 = arith.constant 256 : i32
    %swap3A = arith.constant 0 : index
    %swap3A_23 = arith.constant 0 : index
    %swap3A_24 = vector.load %arg3[%swap3A, %swap3A_23] : memref<8x256xf32, #tpu.memory_space<vmem>>, vector<8x256xf32>
    tpu.vector_store %arg3[%swap3A, %swap3A_23], %scan3A_21#2 {strides = array<i32>} : memref<8x256xf32, #tpu.memory_space<vmem>>, vector<8x256xf32>,
    %swap3A_25 = arith.constant 0 : index
    %swap3A_26 = arith.constant 0 : index
    %swap3A_27 = vector.load %arg4[%swap3A_25, %swap3A_26] : memref<8x256xf32, #tpu.memory_space<vmem>>, vector<8x256xf32>
    tpu.vector_store %arg4[%swap3A_25, %swap3A_26], %scan3A_21#3 {strides = array<i32>} : memref<8x256xf32, #tpu.memory_space<vmem>>, vector<8x256xf32>,
    %swap3A_28 = arith.constant 0 : index
    %swap3A_29 = arith.constant 0 : index
    %swap3A_30 = vector.load %arg5[%swap3A_28, %swap3A_29] : memref<8x256xf32, #tpu.memory_space<vmem>>, vector<8x256xf32>
    tpu.vector_store %arg5[%swap3A_28, %swap3A_29], %scan3A_21#4 {strides = array<i32>} : memref<8x256xf32, #tpu.memory_space<vmem>>, vector<8x256xf32>,
    return
  }
}

module attributes {stable_mosaic.version = 14 : i64} {
  func.func @_topk_body(%arg0: i32, %arg1: memref<1x1x8192xf32, #tpu.memory_space<vmem>>, %arg2: memref<1x1x8192xf32, #tpu.memory_space<vmem>>, %arg3: memref<1x1x8192xf32, #tpu.memory_space<vmem>>, %arg4: memref<1x256x1xf32, #tpu.memory_space<vmem>>, %arg5: memref<1x256x1xf32, #tpu.memory_space<vmem>>, %arg6: memref<1x256x1xf32, #tpu.memory_space<vmem>>, %arg7: memref<1x256x32xi32, #tpu.memory_space<vmem>>) attributes {dimension_semantics = [#tpu.dimension_semantics<arbitrary>], iteration_bounds = array<i64: 8>, scalar_prefetch = 0 : i64, scratch_operands = 0 : i64, tpu.core_type = #tpu.core_type<tc>, window_params = [{transform_indices = @transform_0, window_bounds = array<i64: 1, 1, 8192>}, {transform_indices = @transform_1, window_bounds = array<i64: 1, 1, 8192>}, {transform_indices = @transform_2, window_bounds = array<i64: 1, 1, 8192>}, {transform_indices = @transform_3, window_bounds = array<i64: 1, 256, 1>}, {transform_indices = @transform_4, window_bounds = array<i64: 1, 256, 1>}, {transform_indices = @transform_5, window_bounds = array<i64: 1, 256, 1>}, {transform_indices = @transform_6, window_bounds = array<i64: 1, 256, 32>}]} {
    %get3A = arith.constant 0 : index
    %get3A_0 = arith.constant 0 : index
    %get3A_1 = arith.constant 0 : index
    %get3A_2 = vector.load %arg1[%get3A, %get3A_0, %get3A_1] : memref<1x1x8192xf32, #tpu.memory_space<vmem>>, vector<1x1x8192xf32>
    %get3A_3 = vector.shape_cast %get3A_2 : vector<1x1x8192xf32> to vector<1x8192xf32>
    %get3A_4 = arith.constant 0 : index
    %get3A_5 = arith.constant 0 : index
    %get3A_6 = arith.constant 0 : index
    %get3A_7 = vector.load %arg2[%get3A_4, %get3A_5, %get3A_6] : memref<1x1x8192xf32, #tpu.memory_space<vmem>>, vector<1x1x8192xf32>
    %get3A_8 = vector.shape_cast %get3A_7 : vector<1x1x8192xf32> to vector<1x8192xf32>
    %get3A_9 = arith.constant 0 : index
    %get3A_10 = arith.constant 0 : index
    %get3A_11 = arith.constant 0 : index
    %get3A_12 = vector.load %arg3[%get3A_9, %get3A_10, %get3A_11] : memref<1x1x8192xf32, #tpu.memory_space<vmem>>, vector<1x1x8192xf32>
    %get3A_13 = vector.shape_cast %get3A_12 : vector<1x1x8192xf32> to vector<1x8192xf32>
    %get3A_14 = arith.constant 0 : index
    %get3A_15 = arith.constant 0 : index
    %get3A_16 = arith.constant 0 : index
    %get3A_17 = vector.load %arg4[%get3A_14, %get3A_15, %get3A_16] : memref<1x256x1xf32, #tpu.memory_space<vmem>>, vector<1x256x1xf32>
    %get3A_18 = vector.shape_cast %get3A_17 : vector<1x256x1xf32> to vector<256x1xf32>
    %get3A_19 = arith.constant 0 : index
    %get3A_20 = arith.constant 0 : index
    %get3A_21 = arith.constant 0 : index
    %get3A_22 = vector.load %arg5[%get3A_19, %get3A_20, %get3A_21] : memref<1x256x1xf32, #tpu.memory_space<vmem>>, vector<1x256x1xf32>
    %get3A_23 = vector.shape_cast %get3A_22 : vector<1x256x1xf32> to vector<256x1xf32>
    %get3A_24 = arith.constant 0 : index
    %get3A_25 = arith.constant 0 : index
    %get3A_26 = arith.constant 0 : index
    %get3A_27 = vector.load %arg6[%get3A_24, %get3A_25, %get3A_26] : memref<1x256x1xf32, #tpu.memory_space<vmem>>, vector<1x256x1xf32>
    %get3A_28 = vector.shape_cast %get3A_27 : vector<1x256x1xf32> to vector<256x1xf32>
    %mul3A = arith.mulf %get3A_3, %get3A_3 : vector<1x8192xf32>
    %mul3A_29 = arith.mulf %get3A_8, %get3A_8 : vector<1x8192xf32>
    %add3A = arith.addf %mul3A, %mul3A_29 : vector<1x8192xf32>
    %mul3A_30 = arith.mulf %get3A_13, %get3A_13 : vector<1x8192xf32>
    %add3A_31 = arith.addf %add3A, %mul3A_30 : vector<1x8192xf32>
    %mul3A_32 = arith.mulf %get3A_18, %get3A_18 : vector<256x1xf32>
    %mul3A_33 = arith.mulf %get3A_23, %get3A_23 : vector<256x1xf32>
    %add3A_34 = arith.addf %mul3A_32, %mul3A_33 : vector<256x1xf32>
    %mul3A_35 = arith.mulf %get3A_28, %get3A_28 : vector<256x1xf32>
    %add3A_36 = arith.addf %add3A_34, %mul3A_35 : vector<256x1xf32>
    %concatenate3A = tpu.concatenate %get3A_18, %get3A_23, %get3A_28 in 1 : vector<256x1xf32>, vector<256x1xf32>, vector<256x1xf32> -> vector<256x3xf32>
    %iota3A = tpu.iota {dimensions = array<i32: 1>} : vector<256x512xi32>
    %broadcast_in_dim3A = arith.constant 1.000000e+30 : f32
    %broadcast_in_dim3A_37 = vector.broadcast %broadcast_in_dim3A : f32 to vector<256x512xf32>
    %broadcast_in_dim3A_38 = arith.constant 0 : i32
    %broadcast_in_dim3A_39 = vector.broadcast %broadcast_in_dim3A_38 : i32 to vector<256x512xi32>
    %slice3A = vector.extract_strided_slice %get3A_3 {offsets = [0, 0], sizes = [1, 512], strides = [1, 1]} : vector<1x8192xf32> to vector<1x512xf32>
    %slice3A_40 = vector.extract_strided_slice %get3A_8 {offsets = [0, 0], sizes = [1, 512], strides = [1, 1]} : vector<1x8192xf32> to vector<1x512xf32>
    %slice3A_41 = vector.extract_strided_slice %get3A_13 {offsets = [0, 0], sizes = [1, 512], strides = [1, 1]} : vector<1x8192xf32> to vector<1x512xf32>
    %concatenate3A_42 = tpu.concatenate %slice3A, %slice3A_40, %slice3A_41 in 0 : vector<1x512xf32>, vector<1x512xf32>, vector<1x512xf32> -> vector<3x512xf32>
    %dot_general3A = arith.constant dense<0.000000e+00> : vector<256x512xf32>
    %dot_general3A_43 = tpu.matmul %concatenate3A, %concatenate3A_42, %dot_general3A {dimension_numbers = #tpu.dot_dimension_numbers<[1], [0], [0], [1], [0, 0, 1, 1], [], []>, transpose_lhs_hint = false} : vector<256x3xf32>, vector<3x512xf32>, vector<256x512xf32> -> vector<256x512xf32>
    %mul3A_44 = arith.constant -2.000000e+00 : f32
    %mul3A_45 = vector.broadcast %mul3A_44 : f32 to vector<256x512xf32>
    %mul3A_46 = arith.mulf %mul3A_45, %dot_general3A_43 : vector<256x512xf32>
    %add3A_47 = vector.broadcast %add3A_36 : vector<256x1xf32> to vector<256x512xf32>
    %add3A_48 = arith.addf %mul3A_46, %add3A_47 : vector<256x512xf32>
    %slice3A_49 = vector.extract_strided_slice %add3A_31 {offsets = [0, 0], sizes = [1, 512], strides = [1, 1]} : vector<1x8192xf32> to vector<1x512xf32>
    %add3A_50 = vector.broadcast %slice3A_49 : vector<1x512xf32> to vector<256x512xf32>
    %add3A_51 = arith.addf %add3A_48, %add3A_50 : vector<256x512xf32>
    %add3A_52 = arith.constant 0 : i32
    %add3A_53 = vector.broadcast %add3A_52 : i32 to vector<256x512xi32>
    %add3A_54 = arith.addi %iota3A, %add3A_53 : vector<256x512xi32>
    %lt3A = arith.cmpf olt, %add3A_51, %broadcast_in_dim3A_37 : vector<256x512xf32>
    %lt3A_55 = arith.cmpf olt, %add3A_51, %broadcast_in_dim3A_37 : vector<256x512xf32>
    %lt3A_56 = arith.cmpf olt, %add3A_51, %broadcast_in_dim3A_37 : vector<256x512xf32>
    %lt3A_57 = arith.cmpf olt, %add3A_51, %broadcast_in_dim3A_37 : vector<256x512xf32>
    %select_n3A = arith.select %lt3A_57, %add3A_51, %broadcast_in_dim3A_37 : vector<256x512xi1>, vector<256x512xf32>
    %select_n3A_58 = arith.select %lt3A_56, %broadcast_in_dim3A_37, %select_n3A : vector<256x512xi1>, vector<256x512xf32>
    %select_n3A_59 = arith.select %lt3A_57, %add3A_54, %broadcast_in_dim3A_39 : vector<256x512xi1>, vector<256x512xi32>
    %select_n3A_60 = arith.select %lt3A_56, %broadcast_in_dim3A_39, %select_n3A_59 : vector<256x512xi1>, vector<256x512xi32>
    %select_n3A_61 = arith.select %lt3A_56, %add3A_51, %broadcast_in_dim3A_37 : vector<256x512xi1>, vector<256x512xf32>
    %select_n3A_62 = arith.select %lt3A_55, %broadcast_in_dim3A_37, %select_n3A_61 : vector<256x512xi1>, vector<256x512xf32>
    %select_n3A_63 = arith.select %lt3A_56, %add3A_54, %broadcast_in_dim3A_39 : vector<256x512xi1>, vector<256x512xi32>
    %select_n3A_64 = arith.select %lt3A_55, %broadcast_in_dim3A_39, %select_n3A_63 : vector<256x512xi1>, vector<256x512xi32>
    %select_n3A_65 = arith.select %lt3A_55, %add3A_51, %broadcast_in_dim3A_37 : vector<256x512xi1>, vector<256x512xf32>
    %select_n3A_66 = arith.select %lt3A, %broadcast_in_dim3A_37, %select_n3A_65 : vector<256x512xi1>, vector<256x512xf32>
    %select_n3A_67 = arith.select %lt3A_55, %add3A_54, %broadcast_in_dim3A_39 : vector<256x512xi1>, vector<256x512xi32>
    %select_n3A_68 = arith.select %lt3A, %broadcast_in_dim3A_39, %select_n3A_67 : vector<256x512xi1>, vector<256x512xi32>
    %select_n3A_69 = arith.select %lt3A, %add3A_51, %broadcast_in_dim3A_37 : vector<256x512xi1>, vector<256x512xf32>
    %select_n3A_70 = arith.select %lt3A, %add3A_54, %broadcast_in_dim3A_39 : vector<256x512xi1>, vector<256x512xi32>
    %slice3A_71 = vector.extract_strided_slice %get3A_3 {offsets = [0, 512], sizes = [1, 512], strides = [1, 1]} : vector<1x8192xf32> to vector<1x512xf32>
    %slice3A_72 = vector.extract_strided_slice %get3A_8 {offsets = [0, 512], sizes = [1, 512], strides = [1, 1]} : vector<1x8192xf32> to vector<1x512xf32>
    %slice3A_73 = vector.extract_strided_slice %get3A_13 {offsets = [0, 512], sizes = [1, 512], strides = [1, 1]} : vector<1x8192xf32> to vector<1x512xf32>
    %concatenate3A_74 = tpu.concatenate %slice3A_71, %slice3A_72, %slice3A_73 in 0 : vector<1x512xf32>, vector<1x512xf32>, vector<1x512xf32> -> vector<3x512xf32>
    %dot_general3A_75 = arith.constant dense<0.000000e+00> : vector<256x512xf32>
    %dot_general3A_76 = tpu.matmul %concatenate3A, %concatenate3A_74, %dot_general3A_75 {dimension_numbers = #tpu.dot_dimension_numbers<[1], [0], [0], [1], [0, 0, 1, 1], [], []>, transpose_lhs_hint = false} : vector<256x3xf32>, vector<3x512xf32>, vector<256x512xf32> -> vector<256x512xf32>
    %mul3A_77 = arith.constant -2.000000e+00 : f32
    %mul3A_78 = vector.broadcast %mul3A_77 : f32 to vector<256x512xf32>
    %mul3A_79 = arith.mulf %mul3A_78, %dot_general3A_76 : vector<256x512xf32>
    %add3A_80 = vector.broadcast %add3A_36 : vector<256x1xf32> to vector<256x512xf32>
    %add3A_81 = arith.addf %mul3A_79, %add3A_80 : vector<256x512xf32>
    %slice3A_82 = vector.extract_strided_slice %add3A_31 {offsets = [0, 512], sizes = [1, 512], strides = [1, 1]} : vector<1x8192xf32> to vector<1x512xf32>
    %add3A_83 = vector.broadcast %slice3A_82 : vector<1x512xf32> to vector<256x512xf32>
    %add3A_84 = arith.addf %add3A_81, %add3A_83 : vector<256x512xf32>
    %add3A_85 = arith.constant 512 : i32
    %add3A_86 = vector.broadcast %add3A_85 : i32 to vector<256x512xi32>
    %add3A_87 = arith.addi %iota3A, %add3A_86 : vector<256x512xi32>
    %lt3A_88 = arith.cmpf olt, %add3A_84, %select_n3A_69 : vector<256x512xf32>
    %lt3A_89 = arith.cmpf olt, %add3A_84, %select_n3A_66 : vector<256x512xf32>
    %lt3A_90 = arith.cmpf olt, %add3A_84, %select_n3A_62 : vector<256x512xf32>
    %lt3A_91 = arith.cmpf olt, %add3A_84, %select_n3A_58 : vector<256x512xf32>
    %select_n3A_92 = arith.select %lt3A_91, %add3A_84, %select_n3A_58 : vector<256x512xi1>, vector<256x512xf32>
    %select_n3A_93 = arith.select %lt3A_90, %select_n3A_62, %select_n3A_92 : vector<256x512xi1>, vector<256x512xf32>
    %select_n3A_94 = arith.select %lt3A_91, %add3A_87, %select_n3A_60 : vector<256x512xi1>, vector<256x512xi32>
    %select_n3A_95 = arith.select %lt3A_90, %select_n3A_64, %select_n3A_94 : vector<256x512xi1>, vector<256x512xi32>
    %select_n3A_96 = arith.select %lt3A_90, %add3A_84, %select_n3A_62 : vector<256x512xi1>, vector<256x512xf32>
    %select_n3A_97 = arith.select %lt3A_89, %select_n3A_66, %select_n3A_96 : vector<256x512xi1>, vector<256x512xf32>
    %select_n3A_98 = arith.select %lt3A_90, %add3A_87, %select_n3A_64 : vector<256x512xi1>, vector<256x512xi32>
    %select_n3A_99 = arith.select %lt3A_89, %select_n3A_68, %select_n3A_98 : vector<256x512xi1>, vector<256x512xi32>
    %select_n3A_100 = arith.select %lt3A_89, %add3A_84, %select_n3A_66 : vector<256x512xi1>, vector<256x512xf32>
    %select_n3A_101 = arith.select %lt3A_88, %select_n3A_69, %select_n3A_100 : vector<256x512xi1>, vector<256x512xf32>
    %select_n3A_102 = arith.select %lt3A_89, %add3A_87, %select_n3A_68 : vector<256x512xi1>, vector<256x512xi32>
    %select_n3A_103 = arith.select %lt3A_88, %select_n3A_70, %select_n3A_102 : vector<256x512xi1>, vector<256x512xi32>
    %select_n3A_104 = arith.select %lt3A_88, %add3A_84, %select_n3A_69 : vector<256x512xi1>, vector<256x512xf32>
    %select_n3A_105 = arith.select %lt3A_88, %add3A_87, %select_n3A_70 : vector<256x512xi1>, vector<256x512xi32>
    %slice3A_106 = vector.extract_strided_slice %get3A_3 {offsets = [0, 1024], sizes = [1, 512], strides = [1, 1]} : vector<1x8192xf32> to vector<1x512xf32>
    %slice3A_107 = vector.extract_strided_slice %get3A_8 {offsets = [0, 1024], sizes = [1, 512], strides = [1, 1]} : vector<1x8192xf32> to vector<1x512xf32>
    %slice3A_108 = vector.extract_strided_slice %get3A_13 {offsets = [0, 1024], sizes = [1, 512], strides = [1, 1]} : vector<1x8192xf32> to vector<1x512xf32>
    %concatenate3A_109 = tpu.concatenate %slice3A_106, %slice3A_107, %slice3A_108 in 0 : vector<1x512xf32>, vector<1x512xf32>, vector<1x512xf32> -> vector<3x512xf32>
    %dot_general3A_110 = arith.constant dense<0.000000e+00> : vector<256x512xf32>
    %dot_general3A_111 = tpu.matmul %concatenate3A, %concatenate3A_109, %dot_general3A_110 {dimension_numbers = #tpu.dot_dimension_numbers<[1], [0], [0], [1], [0, 0, 1, 1], [], []>, transpose_lhs_hint = false} : vector<256x3xf32>, vector<3x512xf32>, vector<256x512xf32> -> vector<256x512xf32>
    %mul3A_112 = arith.constant -2.000000e+00 : f32
    %mul3A_113 = vector.broadcast %mul3A_112 : f32 to vector<256x512xf32>
    %mul3A_114 = arith.mulf %mul3A_113, %dot_general3A_111 : vector<256x512xf32>
    %add3A_115 = vector.broadcast %add3A_36 : vector<256x1xf32> to vector<256x512xf32>
    %add3A_116 = arith.addf %mul3A_114, %add3A_115 : vector<256x512xf32>
    %slice3A_117 = vector.extract_strided_slice %add3A_31 {offsets = [0, 1024], sizes = [1, 512], strides = [1, 1]} : vector<1x8192xf32> to vector<1x512xf32>
    %add3A_118 = vector.broadcast %slice3A_117 : vector<1x512xf32> to vector<256x512xf32>
    %add3A_119 = arith.addf %add3A_116, %add3A_118 : vector<256x512xf32>
    %add3A_120 = arith.constant 1024 : i32
    %add3A_121 = vector.broadcast %add3A_120 : i32 to vector<256x512xi32>
    %add3A_122 = arith.addi %iota3A, %add3A_121 : vector<256x512xi32>
    %lt3A_123 = arith.cmpf olt, %add3A_119, %select_n3A_104 : vector<256x512xf32>
    %lt3A_124 = arith.cmpf olt, %add3A_119, %select_n3A_101 : vector<256x512xf32>
    %lt3A_125 = arith.cmpf olt, %add3A_119, %select_n3A_97 : vector<256x512xf32>
    %lt3A_126 = arith.cmpf olt, %add3A_119, %select_n3A_93 : vector<256x512xf32>
    %select_n3A_127 = arith.select %lt3A_126, %add3A_119, %select_n3A_93 : vector<256x512xi1>, vector<256x512xf32>
    %select_n3A_128 = arith.select %lt3A_125, %select_n3A_97, %select_n3A_127 : vector<256x512xi1>, vector<256x512xf32>
    %select_n3A_129 = arith.select %lt3A_126, %add3A_122, %select_n3A_95 : vector<256x512xi1>, vector<256x512xi32>
    %select_n3A_130 = arith.select %lt3A_125, %select_n3A_99, %select_n3A_129 : vector<256x512xi1>, vector<256x512xi32>
    %select_n3A_131 = arith.select %lt3A_125, %add3A_119, %select_n3A_97 : vector<256x512xi1>, vector<256x512xf32>
    %select_n3A_132 = arith.select %lt3A_124, %select_n3A_101, %select_n3A_131 : vector<256x512xi1>, vector<256x512xf32>
    %select_n3A_133 = arith.select %lt3A_125, %add3A_122, %select_n3A_99 : vector<256x512xi1>, vector<256x512xi32>
    %select_n3A_134 = arith.select %lt3A_124, %select_n3A_103, %select_n3A_133 : vector<256x512xi1>, vector<256x512xi32>
    %select_n3A_135 = arith.select %lt3A_124, %add3A_119, %select_n3A_101 : vector<256x512xi1>, vector<256x512xf32>
    %select_n3A_136 = arith.select %lt3A_123, %select_n3A_104, %select_n3A_135 : vector<256x512xi1>, vector<256x512xf32>
    %select_n3A_137 = arith.select %lt3A_124, %add3A_122, %select_n3A_103 : vector<256x512xi1>, vector<256x512xi32>
    %select_n3A_138 = arith.select %lt3A_123, %select_n3A_105, %select_n3A_137 : vector<256x512xi1>, vector<256x512xi32>
    %select_n3A_139 = arith.select %lt3A_123, %add3A_119, %select_n3A_104 : vector<256x512xi1>, vector<256x512xf32>
    %select_n3A_140 = arith.select %lt3A_123, %add3A_122, %select_n3A_105 : vector<256x512xi1>, vector<256x512xi32>
    %slice3A_141 = vector.extract_strided_slice %get3A_3 {offsets = [0, 1536], sizes = [1, 512], strides = [1, 1]} : vector<1x8192xf32> to vector<1x512xf32>
    %slice3A_142 = vector.extract_strided_slice %get3A_8 {offsets = [0, 1536], sizes = [1, 512], strides = [1, 1]} : vector<1x8192xf32> to vector<1x512xf32>
    %slice3A_143 = vector.extract_strided_slice %get3A_13 {offsets = [0, 1536], sizes = [1, 512], strides = [1, 1]} : vector<1x8192xf32> to vector<1x512xf32>
    %concatenate3A_144 = tpu.concatenate %slice3A_141, %slice3A_142, %slice3A_143 in 0 : vector<1x512xf32>, vector<1x512xf32>, vector<1x512xf32> -> vector<3x512xf32>
    %dot_general3A_145 = arith.constant dense<0.000000e+00> : vector<256x512xf32>
    %dot_general3A_146 = tpu.matmul %concatenate3A, %concatenate3A_144, %dot_general3A_145 {dimension_numbers = #tpu.dot_dimension_numbers<[1], [0], [0], [1], [0, 0, 1, 1], [], []>, transpose_lhs_hint = false} : vector<256x3xf32>, vector<3x512xf32>, vector<256x512xf32> -> vector<256x512xf32>
    %mul3A_147 = arith.constant -2.000000e+00 : f32
    %mul3A_148 = vector.broadcast %mul3A_147 : f32 to vector<256x512xf32>
    %mul3A_149 = arith.mulf %mul3A_148, %dot_general3A_146 : vector<256x512xf32>
    %add3A_150 = vector.broadcast %add3A_36 : vector<256x1xf32> to vector<256x512xf32>
    %add3A_151 = arith.addf %mul3A_149, %add3A_150 : vector<256x512xf32>
    %slice3A_152 = vector.extract_strided_slice %add3A_31 {offsets = [0, 1536], sizes = [1, 512], strides = [1, 1]} : vector<1x8192xf32> to vector<1x512xf32>
    %add3A_153 = vector.broadcast %slice3A_152 : vector<1x512xf32> to vector<256x512xf32>
    %add3A_154 = arith.addf %add3A_151, %add3A_153 : vector<256x512xf32>
    %add3A_155 = arith.constant 1536 : i32
    %add3A_156 = vector.broadcast %add3A_155 : i32 to vector<256x512xi32>
    %add3A_157 = arith.addi %iota3A, %add3A_156 : vector<256x512xi32>
    %lt3A_158 = arith.cmpf olt, %add3A_154, %select_n3A_139 : vector<256x512xf32>
    %lt3A_159 = arith.cmpf olt, %add3A_154, %select_n3A_136 : vector<256x512xf32>
    %lt3A_160 = arith.cmpf olt, %add3A_154, %select_n3A_132 : vector<256x512xf32>
    %lt3A_161 = arith.cmpf olt, %add3A_154, %select_n3A_128 : vector<256x512xf32>
    %select_n3A_162 = arith.select %lt3A_161, %add3A_154, %select_n3A_128 : vector<256x512xi1>, vector<256x512xf32>
    %select_n3A_163 = arith.select %lt3A_160, %select_n3A_132, %select_n3A_162 : vector<256x512xi1>, vector<256x512xf32>
    %select_n3A_164 = arith.select %lt3A_161, %add3A_157, %select_n3A_130 : vector<256x512xi1>, vector<256x512xi32>
    %select_n3A_165 = arith.select %lt3A_160, %select_n3A_134, %select_n3A_164 : vector<256x512xi1>, vector<256x512xi32>
    %select_n3A_166 = arith.select %lt3A_160, %add3A_154, %select_n3A_132 : vector<256x512xi1>, vector<256x512xf32>
    %select_n3A_167 = arith.select %lt3A_159, %select_n3A_136, %select_n3A_166 : vector<256x512xi1>, vector<256x512xf32>
    %select_n3A_168 = arith.select %lt3A_160, %add3A_157, %select_n3A_134 : vector<256x512xi1>, vector<256x512xi32>
    %select_n3A_169 = arith.select %lt3A_159, %select_n3A_138, %select_n3A_168 : vector<256x512xi1>, vector<256x512xi32>
    %select_n3A_170 = arith.select %lt3A_159, %add3A_154, %select_n3A_136 : vector<256x512xi1>, vector<256x512xf32>
    %select_n3A_171 = arith.select %lt3A_158, %select_n3A_139, %select_n3A_170 : vector<256x512xi1>, vector<256x512xf32>
    %select_n3A_172 = arith.select %lt3A_159, %add3A_157, %select_n3A_138 : vector<256x512xi1>, vector<256x512xi32>
    %select_n3A_173 = arith.select %lt3A_158, %select_n3A_140, %select_n3A_172 : vector<256x512xi1>, vector<256x512xi32>
    %select_n3A_174 = arith.select %lt3A_158, %add3A_154, %select_n3A_139 : vector<256x512xi1>, vector<256x512xf32>
    %select_n3A_175 = arith.select %lt3A_158, %add3A_157, %select_n3A_140 : vector<256x512xi1>, vector<256x512xi32>
    %slice3A_176 = vector.extract_strided_slice %get3A_3 {offsets = [0, 2048], sizes = [1, 512], strides = [1, 1]} : vector<1x8192xf32> to vector<1x512xf32>
    %slice3A_177 = vector.extract_strided_slice %get3A_8 {offsets = [0, 2048], sizes = [1, 512], strides = [1, 1]} : vector<1x8192xf32> to vector<1x512xf32>
    %slice3A_178 = vector.extract_strided_slice %get3A_13 {offsets = [0, 2048], sizes = [1, 512], strides = [1, 1]} : vector<1x8192xf32> to vector<1x512xf32>
    %concatenate3A_179 = tpu.concatenate %slice3A_176, %slice3A_177, %slice3A_178 in 0 : vector<1x512xf32>, vector<1x512xf32>, vector<1x512xf32> -> vector<3x512xf32>
    %dot_general3A_180 = arith.constant dense<0.000000e+00> : vector<256x512xf32>
    %dot_general3A_181 = tpu.matmul %concatenate3A, %concatenate3A_179, %dot_general3A_180 {dimension_numbers = #tpu.dot_dimension_numbers<[1], [0], [0], [1], [0, 0, 1, 1], [], []>, transpose_lhs_hint = false} : vector<256x3xf32>, vector<3x512xf32>, vector<256x512xf32> -> vector<256x512xf32>
    %mul3A_182 = arith.constant -2.000000e+00 : f32
    %mul3A_183 = vector.broadcast %mul3A_182 : f32 to vector<256x512xf32>
    %mul3A_184 = arith.mulf %mul3A_183, %dot_general3A_181 : vector<256x512xf32>
    %add3A_185 = vector.broadcast %add3A_36 : vector<256x1xf32> to vector<256x512xf32>
    %add3A_186 = arith.addf %mul3A_184, %add3A_185 : vector<256x512xf32>
    %slice3A_187 = vector.extract_strided_slice %add3A_31 {offsets = [0, 2048], sizes = [1, 512], strides = [1, 1]} : vector<1x8192xf32> to vector<1x512xf32>
    %add3A_188 = vector.broadcast %slice3A_187 : vector<1x512xf32> to vector<256x512xf32>
    %add3A_189 = arith.addf %add3A_186, %add3A_188 : vector<256x512xf32>
    %add3A_190 = arith.constant 2048 : i32
    %add3A_191 = vector.broadcast %add3A_190 : i32 to vector<256x512xi32>
    %add3A_192 = arith.addi %iota3A, %add3A_191 : vector<256x512xi32>
    %lt3A_193 = arith.cmpf olt, %add3A_189, %select_n3A_174 : vector<256x512xf32>
    %lt3A_194 = arith.cmpf olt, %add3A_189, %select_n3A_171 : vector<256x512xf32>
    %lt3A_195 = arith.cmpf olt, %add3A_189, %select_n3A_167 : vector<256x512xf32>
    %lt3A_196 = arith.cmpf olt, %add3A_189, %select_n3A_163 : vector<256x512xf32>
    %select_n3A_197 = arith.select %lt3A_196, %add3A_189, %select_n3A_163 : vector<256x512xi1>, vector<256x512xf32>
    %select_n3A_198 = arith.select %lt3A_195, %select_n3A_167, %select_n3A_197 : vector<256x512xi1>, vector<256x512xf32>
    %select_n3A_199 = arith.select %lt3A_196, %add3A_192, %select_n3A_165 : vector<256x512xi1>, vector<256x512xi32>
    %select_n3A_200 = arith.select %lt3A_195, %select_n3A_169, %select_n3A_199 : vector<256x512xi1>, vector<256x512xi32>
    %select_n3A_201 = arith.select %lt3A_195, %add3A_189, %select_n3A_167 : vector<256x512xi1>, vector<256x512xf32>
    %select_n3A_202 = arith.select %lt3A_194, %select_n3A_171, %select_n3A_201 : vector<256x512xi1>, vector<256x512xf32>
    %select_n3A_203 = arith.select %lt3A_195, %add3A_192, %select_n3A_169 : vector<256x512xi1>, vector<256x512xi32>
    %select_n3A_204 = arith.select %lt3A_194, %select_n3A_173, %select_n3A_203 : vector<256x512xi1>, vector<256x512xi32>
    %select_n3A_205 = arith.select %lt3A_194, %add3A_189, %select_n3A_171 : vector<256x512xi1>, vector<256x512xf32>
    %select_n3A_206 = arith.select %lt3A_193, %select_n3A_174, %select_n3A_205 : vector<256x512xi1>, vector<256x512xf32>
    %select_n3A_207 = arith.select %lt3A_194, %add3A_192, %select_n3A_173 : vector<256x512xi1>, vector<256x512xi32>
    %select_n3A_208 = arith.select %lt3A_193, %select_n3A_175, %select_n3A_207 : vector<256x512xi1>, vector<256x512xi32>
    %select_n3A_209 = arith.select %lt3A_193, %add3A_189, %select_n3A_174 : vector<256x512xi1>, vector<256x512xf32>
    %select_n3A_210 = arith.select %lt3A_193, %add3A_192, %select_n3A_175 : vector<256x512xi1>, vector<256x512xi32>
    %slice3A_211 = vector.extract_strided_slice %get3A_3 {offsets = [0, 2560], sizes = [1, 512], strides = [1, 1]} : vector<1x8192xf32> to vector<1x512xf32>
    %slice3A_212 = vector.extract_strided_slice %get3A_8 {offsets = [0, 2560], sizes = [1, 512], strides = [1, 1]} : vector<1x8192xf32> to vector<1x512xf32>
    %slice3A_213 = vector.extract_strided_slice %get3A_13 {offsets = [0, 2560], sizes = [1, 512], strides = [1, 1]} : vector<1x8192xf32> to vector<1x512xf32>
    %concatenate3A_214 = tpu.concatenate %slice3A_211, %slice3A_212, %slice3A_213 in 0 : vector<1x512xf32>, vector<1x512xf32>, vector<1x512xf32> -> vector<3x512xf32>
    %dot_general3A_215 = arith.constant dense<0.000000e+00> : vector<256x512xf32>
    %dot_general3A_216 = tpu.matmul %concatenate3A, %concatenate3A_214, %dot_general3A_215 {dimension_numbers = #tpu.dot_dimension_numbers<[1], [0], [0], [1], [0, 0, 1, 1], [], []>, transpose_lhs_hint = false} : vector<256x3xf32>, vector<3x512xf32>, vector<256x512xf32> -> vector<256x512xf32>
    %mul3A_217 = arith.constant -2.000000e+00 : f32
    %mul3A_218 = vector.broadcast %mul3A_217 : f32 to vector<256x512xf32>
    %mul3A_219 = arith.mulf %mul3A_218, %dot_general3A_216 : vector<256x512xf32>
    %add3A_220 = vector.broadcast %add3A_36 : vector<256x1xf32> to vector<256x512xf32>
    %add3A_221 = arith.addf %mul3A_219, %add3A_220 : vector<256x512xf32>
    %slice3A_222 = vector.extract_strided_slice %add3A_31 {offsets = [0, 2560], sizes = [1, 512], strides = [1, 1]} : vector<1x8192xf32> to vector<1x512xf32>
    %add3A_223 = vector.broadcast %slice3A_222 : vector<1x512xf32> to vector<256x512xf32>
    %add3A_224 = arith.addf %add3A_221, %add3A_223 : vector<256x512xf32>
    %add3A_225 = arith.constant 2560 : i32
    %add3A_226 = vector.broadcast %add3A_225 : i32 to vector<256x512xi32>
    %add3A_227 = arith.addi %iota3A, %add3A_226 : vector<256x512xi32>
    %lt3A_228 = arith.cmpf olt, %add3A_224, %select_n3A_209 : vector<256x512xf32>
    %lt3A_229 = arith.cmpf olt, %add3A_224, %select_n3A_206 : vector<256x512xf32>
    %lt3A_230 = arith.cmpf olt, %add3A_224, %select_n3A_202 : vector<256x512xf32>
    %lt3A_231 = arith.cmpf olt, %add3A_224, %select_n3A_198 : vector<256x512xf32>
    %select_n3A_232 = arith.select %lt3A_231, %add3A_224, %select_n3A_198 : vector<256x512xi1>, vector<256x512xf32>
    %select_n3A_233 = arith.select %lt3A_230, %select_n3A_202, %select_n3A_232 : vector<256x512xi1>, vector<256x512xf32>
    %select_n3A_234 = arith.select %lt3A_231, %add3A_227, %select_n3A_200 : vector<256x512xi1>, vector<256x512xi32>
    %select_n3A_235 = arith.select %lt3A_230, %select_n3A_204, %select_n3A_234 : vector<256x512xi1>, vector<256x512xi32>
    %select_n3A_236 = arith.select %lt3A_230, %add3A_224, %select_n3A_202 : vector<256x512xi1>, vector<256x512xf32>
    %select_n3A_237 = arith.select %lt3A_229, %select_n3A_206, %select_n3A_236 : vector<256x512xi1>, vector<256x512xf32>
    %select_n3A_238 = arith.select %lt3A_230, %add3A_227, %select_n3A_204 : vector<256x512xi1>, vector<256x512xi32>
    %select_n3A_239 = arith.select %lt3A_229, %select_n3A_208, %select_n3A_238 : vector<256x512xi1>, vector<256x512xi32>
    %select_n3A_240 = arith.select %lt3A_229, %add3A_224, %select_n3A_206 : vector<256x512xi1>, vector<256x512xf32>
    %select_n3A_241 = arith.select %lt3A_228, %select_n3A_209, %select_n3A_240 : vector<256x512xi1>, vector<256x512xf32>
    %select_n3A_242 = arith.select %lt3A_229, %add3A_227, %select_n3A_208 : vector<256x512xi1>, vector<256x512xi32>
    %select_n3A_243 = arith.select %lt3A_228, %select_n3A_210, %select_n3A_242 : vector<256x512xi1>, vector<256x512xi32>
    %select_n3A_244 = arith.select %lt3A_228, %add3A_224, %select_n3A_209 : vector<256x512xi1>, vector<256x512xf32>
    %select_n3A_245 = arith.select %lt3A_228, %add3A_227, %select_n3A_210 : vector<256x512xi1>, vector<256x512xi32>
    %slice3A_246 = vector.extract_strided_slice %get3A_3 {offsets = [0, 3072], sizes = [1, 512], strides = [1, 1]} : vector<1x8192xf32> to vector<1x512xf32>
    %slice3A_247 = vector.extract_strided_slice %get3A_8 {offsets = [0, 3072], sizes = [1, 512], strides = [1, 1]} : vector<1x8192xf32> to vector<1x512xf32>
    %slice3A_248 = vector.extract_strided_slice %get3A_13 {offsets = [0, 3072], sizes = [1, 512], strides = [1, 1]} : vector<1x8192xf32> to vector<1x512xf32>
    %concatenate3A_249 = tpu.concatenate %slice3A_246, %slice3A_247, %slice3A_248 in 0 : vector<1x512xf32>, vector<1x512xf32>, vector<1x512xf32> -> vector<3x512xf32>
    %dot_general3A_250 = arith.constant dense<0.000000e+00> : vector<256x512xf32>
    %dot_general3A_251 = tpu.matmul %concatenate3A, %concatenate3A_249, %dot_general3A_250 {dimension_numbers = #tpu.dot_dimension_numbers<[1], [0], [0], [1], [0, 0, 1, 1], [], []>, transpose_lhs_hint = false} : vector<256x3xf32>, vector<3x512xf32>, vector<256x512xf32> -> vector<256x512xf32>
    %mul3A_252 = arith.constant -2.000000e+00 : f32
    %mul3A_253 = vector.broadcast %mul3A_252 : f32 to vector<256x512xf32>
    %mul3A_254 = arith.mulf %mul3A_253, %dot_general3A_251 : vector<256x512xf32>
    %add3A_255 = vector.broadcast %add3A_36 : vector<256x1xf32> to vector<256x512xf32>
    %add3A_256 = arith.addf %mul3A_254, %add3A_255 : vector<256x512xf32>
    %slice3A_257 = vector.extract_strided_slice %add3A_31 {offsets = [0, 3072], sizes = [1, 512], strides = [1, 1]} : vector<1x8192xf32> to vector<1x512xf32>
    %add3A_258 = vector.broadcast %slice3A_257 : vector<1x512xf32> to vector<256x512xf32>
    %add3A_259 = arith.addf %add3A_256, %add3A_258 : vector<256x512xf32>
    %add3A_260 = arith.constant 3072 : i32
    %add3A_261 = vector.broadcast %add3A_260 : i32 to vector<256x512xi32>
    %add3A_262 = arith.addi %iota3A, %add3A_261 : vector<256x512xi32>
    %lt3A_263 = arith.cmpf olt, %add3A_259, %select_n3A_244 : vector<256x512xf32>
    %lt3A_264 = arith.cmpf olt, %add3A_259, %select_n3A_241 : vector<256x512xf32>
    %lt3A_265 = arith.cmpf olt, %add3A_259, %select_n3A_237 : vector<256x512xf32>
    %lt3A_266 = arith.cmpf olt, %add3A_259, %select_n3A_233 : vector<256x512xf32>
    %select_n3A_267 = arith.select %lt3A_266, %add3A_259, %select_n3A_233 : vector<256x512xi1>, vector<256x512xf32>
    %select_n3A_268 = arith.select %lt3A_265, %select_n3A_237, %select_n3A_267 : vector<256x512xi1>, vector<256x512xf32>
    %select_n3A_269 = arith.select %lt3A_266, %add3A_262, %select_n3A_235 : vector<256x512xi1>, vector<256x512xi32>
    %select_n3A_270 = arith.select %lt3A_265, %select_n3A_239, %select_n3A_269 : vector<256x512xi1>, vector<256x512xi32>
    %select_n3A_271 = arith.select %lt3A_265, %add3A_259, %select_n3A_237 : vector<256x512xi1>, vector<256x512xf32>
    %select_n3A_272 = arith.select %lt3A_264, %select_n3A_241, %select_n3A_271 : vector<256x512xi1>, vector<256x512xf32>
    %select_n3A_273 = arith.select %lt3A_265, %add3A_262, %select_n3A_239 : vector<256x512xi1>, vector<256x512xi32>
    %select_n3A_274 = arith.select %lt3A_264, %select_n3A_243, %select_n3A_273 : vector<256x512xi1>, vector<256x512xi32>
    %select_n3A_275 = arith.select %lt3A_264, %add3A_259, %select_n3A_241 : vector<256x512xi1>, vector<256x512xf32>
    %select_n3A_276 = arith.select %lt3A_263, %select_n3A_244, %select_n3A_275 : vector<256x512xi1>, vector<256x512xf32>
    %select_n3A_277 = arith.select %lt3A_264, %add3A_262, %select_n3A_243 : vector<256x512xi1>, vector<256x512xi32>
    %select_n3A_278 = arith.select %lt3A_263, %select_n3A_245, %select_n3A_277 : vector<256x512xi1>, vector<256x512xi32>
    %select_n3A_279 = arith.select %lt3A_263, %add3A_259, %select_n3A_244 : vector<256x512xi1>, vector<256x512xf32>
    %select_n3A_280 = arith.select %lt3A_263, %add3A_262, %select_n3A_245 : vector<256x512xi1>, vector<256x512xi32>
    %slice3A_281 = vector.extract_strided_slice %get3A_3 {offsets = [0, 3584], sizes = [1, 512], strides = [1, 1]} : vector<1x8192xf32> to vector<1x512xf32>
    %slice3A_282 = vector.extract_strided_slice %get3A_8 {offsets = [0, 3584], sizes = [1, 512], strides = [1, 1]} : vector<1x8192xf32> to vector<1x512xf32>
    %slice3A_283 = vector.extract_strided_slice %get3A_13 {offsets = [0, 3584], sizes = [1, 512], strides = [1, 1]} : vector<1x8192xf32> to vector<1x512xf32>
    %concatenate3A_284 = tpu.concatenate %slice3A_281, %slice3A_282, %slice3A_283 in 0 : vector<1x512xf32>, vector<1x512xf32>, vector<1x512xf32> -> vector<3x512xf32>
    %dot_general3A_285 = arith.constant dense<0.000000e+00> : vector<256x512xf32>
    %dot_general3A_286 = tpu.matmul %concatenate3A, %concatenate3A_284, %dot_general3A_285 {dimension_numbers = #tpu.dot_dimension_numbers<[1], [0], [0], [1], [0, 0, 1, 1], [], []>, transpose_lhs_hint = false} : vector<256x3xf32>, vector<3x512xf32>, vector<256x512xf32> -> vector<256x512xf32>
    %mul3A_287 = arith.constant -2.000000e+00 : f32
    %mul3A_288 = vector.broadcast %mul3A_287 : f32 to vector<256x512xf32>
    %mul3A_289 = arith.mulf %mul3A_288, %dot_general3A_286 : vector<256x512xf32>
    %add3A_290 = vector.broadcast %add3A_36 : vector<256x1xf32> to vector<256x512xf32>
    %add3A_291 = arith.addf %mul3A_289, %add3A_290 : vector<256x512xf32>
    %slice3A_292 = vector.extract_strided_slice %add3A_31 {offsets = [0, 3584], sizes = [1, 512], strides = [1, 1]} : vector<1x8192xf32> to vector<1x512xf32>
    %add3A_293 = vector.broadcast %slice3A_292 : vector<1x512xf32> to vector<256x512xf32>
    %add3A_294 = arith.addf %add3A_291, %add3A_293 : vector<256x512xf32>
    %add3A_295 = arith.constant 3584 : i32
    %add3A_296 = vector.broadcast %add3A_295 : i32 to vector<256x512xi32>
    %add3A_297 = arith.addi %iota3A, %add3A_296 : vector<256x512xi32>
    %lt3A_298 = arith.cmpf olt, %add3A_294, %select_n3A_279 : vector<256x512xf32>
    %lt3A_299 = arith.cmpf olt, %add3A_294, %select_n3A_276 : vector<256x512xf32>
    %lt3A_300 = arith.cmpf olt, %add3A_294, %select_n3A_272 : vector<256x512xf32>
    %lt3A_301 = arith.cmpf olt, %add3A_294, %select_n3A_268 : vector<256x512xf32>
    %select_n3A_302 = arith.select %lt3A_301, %add3A_294, %select_n3A_268 : vector<256x512xi1>, vector<256x512xf32>
    %select_n3A_303 = arith.select %lt3A_300, %select_n3A_272, %select_n3A_302 : vector<256x512xi1>, vector<256x512xf32>
    %select_n3A_304 = arith.select %lt3A_301, %add3A_297, %select_n3A_270 : vector<256x512xi1>, vector<256x512xi32>
    %select_n3A_305 = arith.select %lt3A_300, %select_n3A_274, %select_n3A_304 : vector<256x512xi1>, vector<256x512xi32>
    %select_n3A_306 = arith.select %lt3A_300, %add3A_294, %select_n3A_272 : vector<256x512xi1>, vector<256x512xf32>
    %select_n3A_307 = arith.select %lt3A_299, %select_n3A_276, %select_n3A_306 : vector<256x512xi1>, vector<256x512xf32>
    %select_n3A_308 = arith.select %lt3A_300, %add3A_297, %select_n3A_274 : vector<256x512xi1>, vector<256x512xi32>
    %select_n3A_309 = arith.select %lt3A_299, %select_n3A_278, %select_n3A_308 : vector<256x512xi1>, vector<256x512xi32>
    %select_n3A_310 = arith.select %lt3A_299, %add3A_294, %select_n3A_276 : vector<256x512xi1>, vector<256x512xf32>
    %select_n3A_311 = arith.select %lt3A_298, %select_n3A_279, %select_n3A_310 : vector<256x512xi1>, vector<256x512xf32>
    %select_n3A_312 = arith.select %lt3A_299, %add3A_297, %select_n3A_278 : vector<256x512xi1>, vector<256x512xi32>
    %select_n3A_313 = arith.select %lt3A_298, %select_n3A_280, %select_n3A_312 : vector<256x512xi1>, vector<256x512xi32>
    %select_n3A_314 = arith.select %lt3A_298, %add3A_294, %select_n3A_279 : vector<256x512xi1>, vector<256x512xf32>
    %select_n3A_315 = arith.select %lt3A_298, %add3A_297, %select_n3A_280 : vector<256x512xi1>, vector<256x512xi32>
    %slice3A_316 = vector.extract_strided_slice %get3A_3 {offsets = [0, 4096], sizes = [1, 512], strides = [1, 1]} : vector<1x8192xf32> to vector<1x512xf32>
    %slice3A_317 = vector.extract_strided_slice %get3A_8 {offsets = [0, 4096], sizes = [1, 512], strides = [1, 1]} : vector<1x8192xf32> to vector<1x512xf32>
    %slice3A_318 = vector.extract_strided_slice %get3A_13 {offsets = [0, 4096], sizes = [1, 512], strides = [1, 1]} : vector<1x8192xf32> to vector<1x512xf32>
    %concatenate3A_319 = tpu.concatenate %slice3A_316, %slice3A_317, %slice3A_318 in 0 : vector<1x512xf32>, vector<1x512xf32>, vector<1x512xf32> -> vector<3x512xf32>
    %dot_general3A_320 = arith.constant dense<0.000000e+00> : vector<256x512xf32>
    %dot_general3A_321 = tpu.matmul %concatenate3A, %concatenate3A_319, %dot_general3A_320 {dimension_numbers = #tpu.dot_dimension_numbers<[1], [0], [0], [1], [0, 0, 1, 1], [], []>, transpose_lhs_hint = false} : vector<256x3xf32>, vector<3x512xf32>, vector<256x512xf32> -> vector<256x512xf32>
    %mul3A_322 = arith.constant -2.000000e+00 : f32
    %mul3A_323 = vector.broadcast %mul3A_322 : f32 to vector<256x512xf32>
    %mul3A_324 = arith.mulf %mul3A_323, %dot_general3A_321 : vector<256x512xf32>
    %add3A_325 = vector.broadcast %add3A_36 : vector<256x1xf32> to vector<256x512xf32>
    %add3A_326 = arith.addf %mul3A_324, %add3A_325 : vector<256x512xf32>
    %slice3A_327 = vector.extract_strided_slice %add3A_31 {offsets = [0, 4096], sizes = [1, 512], strides = [1, 1]} : vector<1x8192xf32> to vector<1x512xf32>
    %add3A_328 = vector.broadcast %slice3A_327 : vector<1x512xf32> to vector<256x512xf32>
    %add3A_329 = arith.addf %add3A_326, %add3A_328 : vector<256x512xf32>
    %add3A_330 = arith.constant 4096 : i32
    %add3A_331 = vector.broadcast %add3A_330 : i32 to vector<256x512xi32>
    %add3A_332 = arith.addi %iota3A, %add3A_331 : vector<256x512xi32>
    %lt3A_333 = arith.cmpf olt, %add3A_329, %select_n3A_314 : vector<256x512xf32>
    %lt3A_334 = arith.cmpf olt, %add3A_329, %select_n3A_311 : vector<256x512xf32>
    %lt3A_335 = arith.cmpf olt, %add3A_329, %select_n3A_307 : vector<256x512xf32>
    %lt3A_336 = arith.cmpf olt, %add3A_329, %select_n3A_303 : vector<256x512xf32>
    %select_n3A_337 = arith.select %lt3A_336, %add3A_329, %select_n3A_303 : vector<256x512xi1>, vector<256x512xf32>
    %select_n3A_338 = arith.select %lt3A_335, %select_n3A_307, %select_n3A_337 : vector<256x512xi1>, vector<256x512xf32>
    %select_n3A_339 = arith.select %lt3A_336, %add3A_332, %select_n3A_305 : vector<256x512xi1>, vector<256x512xi32>
    %select_n3A_340 = arith.select %lt3A_335, %select_n3A_309, %select_n3A_339 : vector<256x512xi1>, vector<256x512xi32>
    %select_n3A_341 = arith.select %lt3A_335, %add3A_329, %select_n3A_307 : vector<256x512xi1>, vector<256x512xf32>
    %select_n3A_342 = arith.select %lt3A_334, %select_n3A_311, %select_n3A_341 : vector<256x512xi1>, vector<256x512xf32>
    %select_n3A_343 = arith.select %lt3A_335, %add3A_332, %select_n3A_309 : vector<256x512xi1>, vector<256x512xi32>
    %select_n3A_344 = arith.select %lt3A_334, %select_n3A_313, %select_n3A_343 : vector<256x512xi1>, vector<256x512xi32>
    %select_n3A_345 = arith.select %lt3A_334, %add3A_329, %select_n3A_311 : vector<256x512xi1>, vector<256x512xf32>
    %select_n3A_346 = arith.select %lt3A_333, %select_n3A_314, %select_n3A_345 : vector<256x512xi1>, vector<256x512xf32>
    %select_n3A_347 = arith.select %lt3A_334, %add3A_332, %select_n3A_313 : vector<256x512xi1>, vector<256x512xi32>
    %select_n3A_348 = arith.select %lt3A_333, %select_n3A_315, %select_n3A_347 : vector<256x512xi1>, vector<256x512xi32>
    %select_n3A_349 = arith.select %lt3A_333, %add3A_329, %select_n3A_314 : vector<256x512xi1>, vector<256x512xf32>
    %select_n3A_350 = arith.select %lt3A_333, %add3A_332, %select_n3A_315 : vector<256x512xi1>, vector<256x512xi32>
    %slice3A_351 = vector.extract_strided_slice %get3A_3 {offsets = [0, 4608], sizes = [1, 512], strides = [1, 1]} : vector<1x8192xf32> to vector<1x512xf32>
    %slice3A_352 = vector.extract_strided_slice %get3A_8 {offsets = [0, 4608], sizes = [1, 512], strides = [1, 1]} : vector<1x8192xf32> to vector<1x512xf32>
    %slice3A_353 = vector.extract_strided_slice %get3A_13 {offsets = [0, 4608], sizes = [1, 512], strides = [1, 1]} : vector<1x8192xf32> to vector<1x512xf32>
    %concatenate3A_354 = tpu.concatenate %slice3A_351, %slice3A_352, %slice3A_353 in 0 : vector<1x512xf32>, vector<1x512xf32>, vector<1x512xf32> -> vector<3x512xf32>
    %dot_general3A_355 = arith.constant dense<0.000000e+00> : vector<256x512xf32>
    %dot_general3A_356 = tpu.matmul %concatenate3A, %concatenate3A_354, %dot_general3A_355 {dimension_numbers = #tpu.dot_dimension_numbers<[1], [0], [0], [1], [0, 0, 1, 1], [], []>, transpose_lhs_hint = false} : vector<256x3xf32>, vector<3x512xf32>, vector<256x512xf32> -> vector<256x512xf32>
    %mul3A_357 = arith.constant -2.000000e+00 : f32
    %mul3A_358 = vector.broadcast %mul3A_357 : f32 to vector<256x512xf32>
    %mul3A_359 = arith.mulf %mul3A_358, %dot_general3A_356 : vector<256x512xf32>
    %add3A_360 = vector.broadcast %add3A_36 : vector<256x1xf32> to vector<256x512xf32>
    %add3A_361 = arith.addf %mul3A_359, %add3A_360 : vector<256x512xf32>
    %slice3A_362 = vector.extract_strided_slice %add3A_31 {offsets = [0, 4608], sizes = [1, 512], strides = [1, 1]} : vector<1x8192xf32> to vector<1x512xf32>
    %add3A_363 = vector.broadcast %slice3A_362 : vector<1x512xf32> to vector<256x512xf32>
    %add3A_364 = arith.addf %add3A_361, %add3A_363 : vector<256x512xf32>
    %add3A_365 = arith.constant 4608 : i32
    %add3A_366 = vector.broadcast %add3A_365 : i32 to vector<256x512xi32>
    %add3A_367 = arith.addi %iota3A, %add3A_366 : vector<256x512xi32>
    %lt3A_368 = arith.cmpf olt, %add3A_364, %select_n3A_349 : vector<256x512xf32>
    %lt3A_369 = arith.cmpf olt, %add3A_364, %select_n3A_346 : vector<256x512xf32>
    %lt3A_370 = arith.cmpf olt, %add3A_364, %select_n3A_342 : vector<256x512xf32>
    %lt3A_371 = arith.cmpf olt, %add3A_364, %select_n3A_338 : vector<256x512xf32>
    %select_n3A_372 = arith.select %lt3A_371, %add3A_364, %select_n3A_338 : vector<256x512xi1>, vector<256x512xf32>
    %select_n3A_373 = arith.select %lt3A_370, %select_n3A_342, %select_n3A_372 : vector<256x512xi1>, vector<256x512xf32>
    %select_n3A_374 = arith.select %lt3A_371, %add3A_367, %select_n3A_340 : vector<256x512xi1>, vector<256x512xi32>
    %select_n3A_375 = arith.select %lt3A_370, %select_n3A_344, %select_n3A_374 : vector<256x512xi1>, vector<256x512xi32>
    %select_n3A_376 = arith.select %lt3A_370, %add3A_364, %select_n3A_342 : vector<256x512xi1>, vector<256x512xf32>
    %select_n3A_377 = arith.select %lt3A_369, %select_n3A_346, %select_n3A_376 : vector<256x512xi1>, vector<256x512xf32>
    %select_n3A_378 = arith.select %lt3A_370, %add3A_367, %select_n3A_344 : vector<256x512xi1>, vector<256x512xi32>
    %select_n3A_379 = arith.select %lt3A_369, %select_n3A_348, %select_n3A_378 : vector<256x512xi1>, vector<256x512xi32>
    %select_n3A_380 = arith.select %lt3A_369, %add3A_364, %select_n3A_346 : vector<256x512xi1>, vector<256x512xf32>
    %select_n3A_381 = arith.select %lt3A_368, %select_n3A_349, %select_n3A_380 : vector<256x512xi1>, vector<256x512xf32>
    %select_n3A_382 = arith.select %lt3A_369, %add3A_367, %select_n3A_348 : vector<256x512xi1>, vector<256x512xi32>
    %select_n3A_383 = arith.select %lt3A_368, %select_n3A_350, %select_n3A_382 : vector<256x512xi1>, vector<256x512xi32>
    %select_n3A_384 = arith.select %lt3A_368, %add3A_364, %select_n3A_349 : vector<256x512xi1>, vector<256x512xf32>
    %select_n3A_385 = arith.select %lt3A_368, %add3A_367, %select_n3A_350 : vector<256x512xi1>, vector<256x512xi32>
    %slice3A_386 = vector.extract_strided_slice %get3A_3 {offsets = [0, 5120], sizes = [1, 512], strides = [1, 1]} : vector<1x8192xf32> to vector<1x512xf32>
    %slice3A_387 = vector.extract_strided_slice %get3A_8 {offsets = [0, 5120], sizes = [1, 512], strides = [1, 1]} : vector<1x8192xf32> to vector<1x512xf32>
    %slice3A_388 = vector.extract_strided_slice %get3A_13 {offsets = [0, 5120], sizes = [1, 512], strides = [1, 1]} : vector<1x8192xf32> to vector<1x512xf32>
    %concatenate3A_389 = tpu.concatenate %slice3A_386, %slice3A_387, %slice3A_388 in 0 : vector<1x512xf32>, vector<1x512xf32>, vector<1x512xf32> -> vector<3x512xf32>
    %dot_general3A_390 = arith.constant dense<0.000000e+00> : vector<256x512xf32>
    %dot_general3A_391 = tpu.matmul %concatenate3A, %concatenate3A_389, %dot_general3A_390 {dimension_numbers = #tpu.dot_dimension_numbers<[1], [0], [0], [1], [0, 0, 1, 1], [], []>, transpose_lhs_hint = false} : vector<256x3xf32>, vector<3x512xf32>, vector<256x512xf32> -> vector<256x512xf32>
    %mul3A_392 = arith.constant -2.000000e+00 : f32
    %mul3A_393 = vector.broadcast %mul3A_392 : f32 to vector<256x512xf32>
    %mul3A_394 = arith.mulf %mul3A_393, %dot_general3A_391 : vector<256x512xf32>
    %add3A_395 = vector.broadcast %add3A_36 : vector<256x1xf32> to vector<256x512xf32>
    %add3A_396 = arith.addf %mul3A_394, %add3A_395 : vector<256x512xf32>
    %slice3A_397 = vector.extract_strided_slice %add3A_31 {offsets = [0, 5120], sizes = [1, 512], strides = [1, 1]} : vector<1x8192xf32> to vector<1x512xf32>
    %add3A_398 = vector.broadcast %slice3A_397 : vector<1x512xf32> to vector<256x512xf32>
    %add3A_399 = arith.addf %add3A_396, %add3A_398 : vector<256x512xf32>
    %add3A_400 = arith.constant 5120 : i32
    %add3A_401 = vector.broadcast %add3A_400 : i32 to vector<256x512xi32>
    %add3A_402 = arith.addi %iota3A, %add3A_401 : vector<256x512xi32>
    %lt3A_403 = arith.cmpf olt, %add3A_399, %select_n3A_384 : vector<256x512xf32>
    %lt3A_404 = arith.cmpf olt, %add3A_399, %select_n3A_381 : vector<256x512xf32>
    %lt3A_405 = arith.cmpf olt, %add3A_399, %select_n3A_377 : vector<256x512xf32>
    %lt3A_406 = arith.cmpf olt, %add3A_399, %select_n3A_373 : vector<256x512xf32>
    %select_n3A_407 = arith.select %lt3A_406, %add3A_399, %select_n3A_373 : vector<256x512xi1>, vector<256x512xf32>
    %select_n3A_408 = arith.select %lt3A_405, %select_n3A_377, %select_n3A_407 : vector<256x512xi1>, vector<256x512xf32>
    %select_n3A_409 = arith.select %lt3A_406, %add3A_402, %select_n3A_375 : vector<256x512xi1>, vector<256x512xi32>
    %select_n3A_410 = arith.select %lt3A_405, %select_n3A_379, %select_n3A_409 : vector<256x512xi1>, vector<256x512xi32>
    %select_n3A_411 = arith.select %lt3A_405, %add3A_399, %select_n3A_377 : vector<256x512xi1>, vector<256x512xf32>
    %select_n3A_412 = arith.select %lt3A_404, %select_n3A_381, %select_n3A_411 : vector<256x512xi1>, vector<256x512xf32>
    %select_n3A_413 = arith.select %lt3A_405, %add3A_402, %select_n3A_379 : vector<256x512xi1>, vector<256x512xi32>
    %select_n3A_414 = arith.select %lt3A_404, %select_n3A_383, %select_n3A_413 : vector<256x512xi1>, vector<256x512xi32>
    %select_n3A_415 = arith.select %lt3A_404, %add3A_399, %select_n3A_381 : vector<256x512xi1>, vector<256x512xf32>
    %select_n3A_416 = arith.select %lt3A_403, %select_n3A_384, %select_n3A_415 : vector<256x512xi1>, vector<256x512xf32>
    %select_n3A_417 = arith.select %lt3A_404, %add3A_402, %select_n3A_383 : vector<256x512xi1>, vector<256x512xi32>
    %select_n3A_418 = arith.select %lt3A_403, %select_n3A_385, %select_n3A_417 : vector<256x512xi1>, vector<256x512xi32>
    %select_n3A_419 = arith.select %lt3A_403, %add3A_399, %select_n3A_384 : vector<256x512xi1>, vector<256x512xf32>
    %select_n3A_420 = arith.select %lt3A_403, %add3A_402, %select_n3A_385 : vector<256x512xi1>, vector<256x512xi32>
    %slice3A_421 = vector.extract_strided_slice %get3A_3 {offsets = [0, 5632], sizes = [1, 512], strides = [1, 1]} : vector<1x8192xf32> to vector<1x512xf32>
    %slice3A_422 = vector.extract_strided_slice %get3A_8 {offsets = [0, 5632], sizes = [1, 512], strides = [1, 1]} : vector<1x8192xf32> to vector<1x512xf32>
    %slice3A_423 = vector.extract_strided_slice %get3A_13 {offsets = [0, 5632], sizes = [1, 512], strides = [1, 1]} : vector<1x8192xf32> to vector<1x512xf32>
    %concatenate3A_424 = tpu.concatenate %slice3A_421, %slice3A_422, %slice3A_423 in 0 : vector<1x512xf32>, vector<1x512xf32>, vector<1x512xf32> -> vector<3x512xf32>
    %dot_general3A_425 = arith.constant dense<0.000000e+00> : vector<256x512xf32>
    %dot_general3A_426 = tpu.matmul %concatenate3A, %concatenate3A_424, %dot_general3A_425 {dimension_numbers = #tpu.dot_dimension_numbers<[1], [0], [0], [1], [0, 0, 1, 1], [], []>, transpose_lhs_hint = false} : vector<256x3xf32>, vector<3x512xf32>, vector<256x512xf32> -> vector<256x512xf32>
    %mul3A_427 = arith.constant -2.000000e+00 : f32
    %mul3A_428 = vector.broadcast %mul3A_427 : f32 to vector<256x512xf32>
    %mul3A_429 = arith.mulf %mul3A_428, %dot_general3A_426 : vector<256x512xf32>
    %add3A_430 = vector.broadcast %add3A_36 : vector<256x1xf32> to vector<256x512xf32>
    %add3A_431 = arith.addf %mul3A_429, %add3A_430 : vector<256x512xf32>
    %slice3A_432 = vector.extract_strided_slice %add3A_31 {offsets = [0, 5632], sizes = [1, 512], strides = [1, 1]} : vector<1x8192xf32> to vector<1x512xf32>
    %add3A_433 = vector.broadcast %slice3A_432 : vector<1x512xf32> to vector<256x512xf32>
    %add3A_434 = arith.addf %add3A_431, %add3A_433 : vector<256x512xf32>
    %add3A_435 = arith.constant 5632 : i32
    %add3A_436 = vector.broadcast %add3A_435 : i32 to vector<256x512xi32>
    %add3A_437 = arith.addi %iota3A, %add3A_436 : vector<256x512xi32>
    %lt3A_438 = arith.cmpf olt, %add3A_434, %select_n3A_419 : vector<256x512xf32>
    %lt3A_439 = arith.cmpf olt, %add3A_434, %select_n3A_416 : vector<256x512xf32>
    %lt3A_440 = arith.cmpf olt, %add3A_434, %select_n3A_412 : vector<256x512xf32>
    %lt3A_441 = arith.cmpf olt, %add3A_434, %select_n3A_408 : vector<256x512xf32>
    %select_n3A_442 = arith.select %lt3A_441, %add3A_434, %select_n3A_408 : vector<256x512xi1>, vector<256x512xf32>
    %select_n3A_443 = arith.select %lt3A_440, %select_n3A_412, %select_n3A_442 : vector<256x512xi1>, vector<256x512xf32>
    %select_n3A_444 = arith.select %lt3A_441, %add3A_437, %select_n3A_410 : vector<256x512xi1>, vector<256x512xi32>
    %select_n3A_445 = arith.select %lt3A_440, %select_n3A_414, %select_n3A_444 : vector<256x512xi1>, vector<256x512xi32>
    %select_n3A_446 = arith.select %lt3A_440, %add3A_434, %select_n3A_412 : vector<256x512xi1>, vector<256x512xf32>
    %select_n3A_447 = arith.select %lt3A_439, %select_n3A_416, %select_n3A_446 : vector<256x512xi1>, vector<256x512xf32>
    %select_n3A_448 = arith.select %lt3A_440, %add3A_437, %select_n3A_414 : vector<256x512xi1>, vector<256x512xi32>
    %select_n3A_449 = arith.select %lt3A_439, %select_n3A_418, %select_n3A_448 : vector<256x512xi1>, vector<256x512xi32>
    %select_n3A_450 = arith.select %lt3A_439, %add3A_434, %select_n3A_416 : vector<256x512xi1>, vector<256x512xf32>
    %select_n3A_451 = arith.select %lt3A_438, %select_n3A_419, %select_n3A_450 : vector<256x512xi1>, vector<256x512xf32>
    %select_n3A_452 = arith.select %lt3A_439, %add3A_437, %select_n3A_418 : vector<256x512xi1>, vector<256x512xi32>
    %select_n3A_453 = arith.select %lt3A_438, %select_n3A_420, %select_n3A_452 : vector<256x512xi1>, vector<256x512xi32>
    %select_n3A_454 = arith.select %lt3A_438, %add3A_434, %select_n3A_419 : vector<256x512xi1>, vector<256x512xf32>
    %select_n3A_455 = arith.select %lt3A_438, %add3A_437, %select_n3A_420 : vector<256x512xi1>, vector<256x512xi32>
    %slice3A_456 = vector.extract_strided_slice %get3A_3 {offsets = [0, 6144], sizes = [1, 512], strides = [1, 1]} : vector<1x8192xf32> to vector<1x512xf32>
    %slice3A_457 = vector.extract_strided_slice %get3A_8 {offsets = [0, 6144], sizes = [1, 512], strides = [1, 1]} : vector<1x8192xf32> to vector<1x512xf32>
    %slice3A_458 = vector.extract_strided_slice %get3A_13 {offsets = [0, 6144], sizes = [1, 512], strides = [1, 1]} : vector<1x8192xf32> to vector<1x512xf32>
    %concatenate3A_459 = tpu.concatenate %slice3A_456, %slice3A_457, %slice3A_458 in 0 : vector<1x512xf32>, vector<1x512xf32>, vector<1x512xf32> -> vector<3x512xf32>
    %dot_general3A_460 = arith.constant dense<0.000000e+00> : vector<256x512xf32>
    %dot_general3A_461 = tpu.matmul %concatenate3A, %concatenate3A_459, %dot_general3A_460 {dimension_numbers = #tpu.dot_dimension_numbers<[1], [0], [0], [1], [0, 0, 1, 1], [], []>, transpose_lhs_hint = false} : vector<256x3xf32>, vector<3x512xf32>, vector<256x512xf32> -> vector<256x512xf32>
    %mul3A_462 = arith.constant -2.000000e+00 : f32
    %mul3A_463 = vector.broadcast %mul3A_462 : f32 to vector<256x512xf32>
    %mul3A_464 = arith.mulf %mul3A_463, %dot_general3A_461 : vector<256x512xf32>
    %add3A_465 = vector.broadcast %add3A_36 : vector<256x1xf32> to vector<256x512xf32>
    %add3A_466 = arith.addf %mul3A_464, %add3A_465 : vector<256x512xf32>
    %slice3A_467 = vector.extract_strided_slice %add3A_31 {offsets = [0, 6144], sizes = [1, 512], strides = [1, 1]} : vector<1x8192xf32> to vector<1x512xf32>
    %add3A_468 = vector.broadcast %slice3A_467 : vector<1x512xf32> to vector<256x512xf32>
    %add3A_469 = arith.addf %add3A_466, %add3A_468 : vector<256x512xf32>
    %add3A_470 = arith.constant 6144 : i32
    %add3A_471 = vector.broadcast %add3A_470 : i32 to vector<256x512xi32>
    %add3A_472 = arith.addi %iota3A, %add3A_471 : vector<256x512xi32>
    %lt3A_473 = arith.cmpf olt, %add3A_469, %select_n3A_454 : vector<256x512xf32>
    %lt3A_474 = arith.cmpf olt, %add3A_469, %select_n3A_451 : vector<256x512xf32>
    %lt3A_475 = arith.cmpf olt, %add3A_469, %select_n3A_447 : vector<256x512xf32>
    %lt3A_476 = arith.cmpf olt, %add3A_469, %select_n3A_443 : vector<256x512xf32>
    %select_n3A_477 = arith.select %lt3A_476, %add3A_469, %select_n3A_443 : vector<256x512xi1>, vector<256x512xf32>
    %select_n3A_478 = arith.select %lt3A_475, %select_n3A_447, %select_n3A_477 : vector<256x512xi1>, vector<256x512xf32>
    %select_n3A_479 = arith.select %lt3A_476, %add3A_472, %select_n3A_445 : vector<256x512xi1>, vector<256x512xi32>
    %select_n3A_480 = arith.select %lt3A_475, %select_n3A_449, %select_n3A_479 : vector<256x512xi1>, vector<256x512xi32>
    %select_n3A_481 = arith.select %lt3A_475, %add3A_469, %select_n3A_447 : vector<256x512xi1>, vector<256x512xf32>
    %select_n3A_482 = arith.select %lt3A_474, %select_n3A_451, %select_n3A_481 : vector<256x512xi1>, vector<256x512xf32>
    %select_n3A_483 = arith.select %lt3A_475, %add3A_472, %select_n3A_449 : vector<256x512xi1>, vector<256x512xi32>
    %select_n3A_484 = arith.select %lt3A_474, %select_n3A_453, %select_n3A_483 : vector<256x512xi1>, vector<256x512xi32>
    %select_n3A_485 = arith.select %lt3A_474, %add3A_469, %select_n3A_451 : vector<256x512xi1>, vector<256x512xf32>
    %select_n3A_486 = arith.select %lt3A_473, %select_n3A_454, %select_n3A_485 : vector<256x512xi1>, vector<256x512xf32>
    %select_n3A_487 = arith.select %lt3A_474, %add3A_472, %select_n3A_453 : vector<256x512xi1>, vector<256x512xi32>
    %select_n3A_488 = arith.select %lt3A_473, %select_n3A_455, %select_n3A_487 : vector<256x512xi1>, vector<256x512xi32>
    %select_n3A_489 = arith.select %lt3A_473, %add3A_469, %select_n3A_454 : vector<256x512xi1>, vector<256x512xf32>
    %select_n3A_490 = arith.select %lt3A_473, %add3A_472, %select_n3A_455 : vector<256x512xi1>, vector<256x512xi32>
    %slice3A_491 = vector.extract_strided_slice %get3A_3 {offsets = [0, 6656], sizes = [1, 512], strides = [1, 1]} : vector<1x8192xf32> to vector<1x512xf32>
    %slice3A_492 = vector.extract_strided_slice %get3A_8 {offsets = [0, 6656], sizes = [1, 512], strides = [1, 1]} : vector<1x8192xf32> to vector<1x512xf32>
    %slice3A_493 = vector.extract_strided_slice %get3A_13 {offsets = [0, 6656], sizes = [1, 512], strides = [1, 1]} : vector<1x8192xf32> to vector<1x512xf32>
    %concatenate3A_494 = tpu.concatenate %slice3A_491, %slice3A_492, %slice3A_493 in 0 : vector<1x512xf32>, vector<1x512xf32>, vector<1x512xf32> -> vector<3x512xf32>
    %dot_general3A_495 = arith.constant dense<0.000000e+00> : vector<256x512xf32>
    %dot_general3A_496 = tpu.matmul %concatenate3A, %concatenate3A_494, %dot_general3A_495 {dimension_numbers = #tpu.dot_dimension_numbers<[1], [0], [0], [1], [0, 0, 1, 1], [], []>, transpose_lhs_hint = false} : vector<256x3xf32>, vector<3x512xf32>, vector<256x512xf32> -> vector<256x512xf32>
    %mul3A_497 = arith.constant -2.000000e+00 : f32
    %mul3A_498 = vector.broadcast %mul3A_497 : f32 to vector<256x512xf32>
    %mul3A_499 = arith.mulf %mul3A_498, %dot_general3A_496 : vector<256x512xf32>
    %add3A_500 = vector.broadcast %add3A_36 : vector<256x1xf32> to vector<256x512xf32>
    %add3A_501 = arith.addf %mul3A_499, %add3A_500 : vector<256x512xf32>
    %slice3A_502 = vector.extract_strided_slice %add3A_31 {offsets = [0, 6656], sizes = [1, 512], strides = [1, 1]} : vector<1x8192xf32> to vector<1x512xf32>
    %add3A_503 = vector.broadcast %slice3A_502 : vector<1x512xf32> to vector<256x512xf32>
    %add3A_504 = arith.addf %add3A_501, %add3A_503 : vector<256x512xf32>
    %add3A_505 = arith.constant 6656 : i32
    %add3A_506 = vector.broadcast %add3A_505 : i32 to vector<256x512xi32>
    %add3A_507 = arith.addi %iota3A, %add3A_506 : vector<256x512xi32>
    %lt3A_508 = arith.cmpf olt, %add3A_504, %select_n3A_489 : vector<256x512xf32>
    %lt3A_509 = arith.cmpf olt, %add3A_504, %select_n3A_486 : vector<256x512xf32>
    %lt3A_510 = arith.cmpf olt, %add3A_504, %select_n3A_482 : vector<256x512xf32>
    %lt3A_511 = arith.cmpf olt, %add3A_504, %select_n3A_478 : vector<256x512xf32>
    %select_n3A_512 = arith.select %lt3A_511, %add3A_504, %select_n3A_478 : vector<256x512xi1>, vector<256x512xf32>
    %select_n3A_513 = arith.select %lt3A_510, %select_n3A_482, %select_n3A_512 : vector<256x512xi1>, vector<256x512xf32>
    %select_n3A_514 = arith.select %lt3A_511, %add3A_507, %select_n3A_480 : vector<256x512xi1>, vector<256x512xi32>
    %select_n3A_515 = arith.select %lt3A_510, %select_n3A_484, %select_n3A_514 : vector<256x512xi1>, vector<256x512xi32>
    %select_n3A_516 = arith.select %lt3A_510, %add3A_504, %select_n3A_482 : vector<256x512xi1>, vector<256x512xf32>
    %select_n3A_517 = arith.select %lt3A_509, %select_n3A_486, %select_n3A_516 : vector<256x512xi1>, vector<256x512xf32>
    %select_n3A_518 = arith.select %lt3A_510, %add3A_507, %select_n3A_484 : vector<256x512xi1>, vector<256x512xi32>
    %select_n3A_519 = arith.select %lt3A_509, %select_n3A_488, %select_n3A_518 : vector<256x512xi1>, vector<256x512xi32>
    %select_n3A_520 = arith.select %lt3A_509, %add3A_504, %select_n3A_486 : vector<256x512xi1>, vector<256x512xf32>
    %select_n3A_521 = arith.select %lt3A_508, %select_n3A_489, %select_n3A_520 : vector<256x512xi1>, vector<256x512xf32>
    %select_n3A_522 = arith.select %lt3A_509, %add3A_507, %select_n3A_488 : vector<256x512xi1>, vector<256x512xi32>
    %select_n3A_523 = arith.select %lt3A_508, %select_n3A_490, %select_n3A_522 : vector<256x512xi1>, vector<256x512xi32>
    %select_n3A_524 = arith.select %lt3A_508, %add3A_504, %select_n3A_489 : vector<256x512xi1>, vector<256x512xf32>
    %select_n3A_525 = arith.select %lt3A_508, %add3A_507, %select_n3A_490 : vector<256x512xi1>, vector<256x512xi32>
    %slice3A_526 = vector.extract_strided_slice %get3A_3 {offsets = [0, 7168], sizes = [1, 512], strides = [1, 1]} : vector<1x8192xf32> to vector<1x512xf32>
    %slice3A_527 = vector.extract_strided_slice %get3A_8 {offsets = [0, 7168], sizes = [1, 512], strides = [1, 1]} : vector<1x8192xf32> to vector<1x512xf32>
    %slice3A_528 = vector.extract_strided_slice %get3A_13 {offsets = [0, 7168], sizes = [1, 512], strides = [1, 1]} : vector<1x8192xf32> to vector<1x512xf32>
    %concatenate3A_529 = tpu.concatenate %slice3A_526, %slice3A_527, %slice3A_528 in 0 : vector<1x512xf32>, vector<1x512xf32>, vector<1x512xf32> -> vector<3x512xf32>
    %dot_general3A_530 = arith.constant dense<0.000000e+00> : vector<256x512xf32>
    %dot_general3A_531 = tpu.matmul %concatenate3A, %concatenate3A_529, %dot_general3A_530 {dimension_numbers = #tpu.dot_dimension_numbers<[1], [0], [0], [1], [0, 0, 1, 1], [], []>, transpose_lhs_hint = false} : vector<256x3xf32>, vector<3x512xf32>, vector<256x512xf32> -> vector<256x512xf32>
    %mul3A_532 = arith.constant -2.000000e+00 : f32
    %mul3A_533 = vector.broadcast %mul3A_532 : f32 to vector<256x512xf32>
    %mul3A_534 = arith.mulf %mul3A_533, %dot_general3A_531 : vector<256x512xf32>
    %add3A_535 = vector.broadcast %add3A_36 : vector<256x1xf32> to vector<256x512xf32>
    %add3A_536 = arith.addf %mul3A_534, %add3A_535 : vector<256x512xf32>
    %slice3A_537 = vector.extract_strided_slice %add3A_31 {offsets = [0, 7168], sizes = [1, 512], strides = [1, 1]} : vector<1x8192xf32> to vector<1x512xf32>
    %add3A_538 = vector.broadcast %slice3A_537 : vector<1x512xf32> to vector<256x512xf32>
    %add3A_539 = arith.addf %add3A_536, %add3A_538 : vector<256x512xf32>
    %add3A_540 = arith.constant 7168 : i32
    %add3A_541 = vector.broadcast %add3A_540 : i32 to vector<256x512xi32>
    %add3A_542 = arith.addi %iota3A, %add3A_541 : vector<256x512xi32>
    %lt3A_543 = arith.cmpf olt, %add3A_539, %select_n3A_524 : vector<256x512xf32>
    %lt3A_544 = arith.cmpf olt, %add3A_539, %select_n3A_521 : vector<256x512xf32>
    %lt3A_545 = arith.cmpf olt, %add3A_539, %select_n3A_517 : vector<256x512xf32>
    %lt3A_546 = arith.cmpf olt, %add3A_539, %select_n3A_513 : vector<256x512xf32>
    %select_n3A_547 = arith.select %lt3A_546, %add3A_539, %select_n3A_513 : vector<256x512xi1>, vector<256x512xf32>
    %select_n3A_548 = arith.select %lt3A_545, %select_n3A_517, %select_n3A_547 : vector<256x512xi1>, vector<256x512xf32>
    %select_n3A_549 = arith.select %lt3A_546, %add3A_542, %select_n3A_515 : vector<256x512xi1>, vector<256x512xi32>
    %select_n3A_550 = arith.select %lt3A_545, %select_n3A_519, %select_n3A_549 : vector<256x512xi1>, vector<256x512xi32>
    %select_n3A_551 = arith.select %lt3A_545, %add3A_539, %select_n3A_517 : vector<256x512xi1>, vector<256x512xf32>
    %select_n3A_552 = arith.select %lt3A_544, %select_n3A_521, %select_n3A_551 : vector<256x512xi1>, vector<256x512xf32>
    %select_n3A_553 = arith.select %lt3A_545, %add3A_542, %select_n3A_519 : vector<256x512xi1>, vector<256x512xi32>
    %select_n3A_554 = arith.select %lt3A_544, %select_n3A_523, %select_n3A_553 : vector<256x512xi1>, vector<256x512xi32>
    %select_n3A_555 = arith.select %lt3A_544, %add3A_539, %select_n3A_521 : vector<256x512xi1>, vector<256x512xf32>
    %select_n3A_556 = arith.select %lt3A_543, %select_n3A_524, %select_n3A_555 : vector<256x512xi1>, vector<256x512xf32>
    %select_n3A_557 = arith.select %lt3A_544, %add3A_542, %select_n3A_523 : vector<256x512xi1>, vector<256x512xi32>
    %select_n3A_558 = arith.select %lt3A_543, %select_n3A_525, %select_n3A_557 : vector<256x512xi1>, vector<256x512xi32>
    %select_n3A_559 = arith.select %lt3A_543, %add3A_539, %select_n3A_524 : vector<256x512xi1>, vector<256x512xf32>
    %select_n3A_560 = arith.select %lt3A_543, %add3A_542, %select_n3A_525 : vector<256x512xi1>, vector<256x512xi32>
    %slice3A_561 = vector.extract_strided_slice %get3A_3 {offsets = [0, 7680], sizes = [1, 512], strides = [1, 1]} : vector<1x8192xf32> to vector<1x512xf32>
    %slice3A_562 = vector.extract_strided_slice %get3A_8 {offsets = [0, 7680], sizes = [1, 512], strides = [1, 1]} : vector<1x8192xf32> to vector<1x512xf32>
    %slice3A_563 = vector.extract_strided_slice %get3A_13 {offsets = [0, 7680], sizes = [1, 512], strides = [1, 1]} : vector<1x8192xf32> to vector<1x512xf32>
    %concatenate3A_564 = tpu.concatenate %slice3A_561, %slice3A_562, %slice3A_563 in 0 : vector<1x512xf32>, vector<1x512xf32>, vector<1x512xf32> -> vector<3x512xf32>
    %dot_general3A_565 = arith.constant dense<0.000000e+00> : vector<256x512xf32>
    %dot_general3A_566 = tpu.matmul %concatenate3A, %concatenate3A_564, %dot_general3A_565 {dimension_numbers = #tpu.dot_dimension_numbers<[1], [0], [0], [1], [0, 0, 1, 1], [], []>, transpose_lhs_hint = false} : vector<256x3xf32>, vector<3x512xf32>, vector<256x512xf32> -> vector<256x512xf32>
    %mul3A_567 = arith.constant -2.000000e+00 : f32
    %mul3A_568 = vector.broadcast %mul3A_567 : f32 to vector<256x512xf32>
    %mul3A_569 = arith.mulf %mul3A_568, %dot_general3A_566 : vector<256x512xf32>
    %add3A_570 = vector.broadcast %add3A_36 : vector<256x1xf32> to vector<256x512xf32>
    %add3A_571 = arith.addf %mul3A_569, %add3A_570 : vector<256x512xf32>
    %slice3A_572 = vector.extract_strided_slice %add3A_31 {offsets = [0, 7680], sizes = [1, 512], strides = [1, 1]} : vector<1x8192xf32> to vector<1x512xf32>
    %add3A_573 = vector.broadcast %slice3A_572 : vector<1x512xf32> to vector<256x512xf32>
    %add3A_574 = arith.addf %add3A_571, %add3A_573 : vector<256x512xf32>
    %add3A_575 = arith.constant 7680 : i32
    %add3A_576 = vector.broadcast %add3A_575 : i32 to vector<256x512xi32>
    %add3A_577 = arith.addi %iota3A, %add3A_576 : vector<256x512xi32>
    %lt3A_578 = arith.cmpf olt, %add3A_574, %select_n3A_559 : vector<256x512xf32>
    %lt3A_579 = arith.cmpf olt, %add3A_574, %select_n3A_556 : vector<256x512xf32>
    %lt3A_580 = arith.cmpf olt, %add3A_574, %select_n3A_552 : vector<256x512xf32>
    %lt3A_581 = arith.cmpf olt, %add3A_574, %select_n3A_548 : vector<256x512xf32>
    %select_n3A_582 = arith.select %lt3A_581, %add3A_574, %select_n3A_548 : vector<256x512xi1>, vector<256x512xf32>
    %select_n3A_583 = arith.select %lt3A_580, %select_n3A_552, %select_n3A_582 : vector<256x512xi1>, vector<256x512xf32>
    %select_n3A_584 = arith.select %lt3A_581, %add3A_577, %select_n3A_550 : vector<256x512xi1>, vector<256x512xi32>
    %select_n3A_585 = arith.select %lt3A_580, %select_n3A_554, %select_n3A_584 : vector<256x512xi1>, vector<256x512xi32>
    %select_n3A_586 = arith.select %lt3A_580, %add3A_574, %select_n3A_552 : vector<256x512xi1>, vector<256x512xf32>
    %select_n3A_587 = arith.select %lt3A_579, %select_n3A_556, %select_n3A_586 : vector<256x512xi1>, vector<256x512xf32>
    %select_n3A_588 = arith.select %lt3A_580, %add3A_577, %select_n3A_554 : vector<256x512xi1>, vector<256x512xi32>
    %select_n3A_589 = arith.select %lt3A_579, %select_n3A_558, %select_n3A_588 : vector<256x512xi1>, vector<256x512xi32>
    %select_n3A_590 = arith.select %lt3A_579, %add3A_574, %select_n3A_556 : vector<256x512xi1>, vector<256x512xf32>
    %select_n3A_591 = arith.select %lt3A_578, %select_n3A_559, %select_n3A_590 : vector<256x512xi1>, vector<256x512xf32>
    %select_n3A_592 = arith.select %lt3A_579, %add3A_577, %select_n3A_558 : vector<256x512xi1>, vector<256x512xi32>
    %select_n3A_593 = arith.select %lt3A_578, %select_n3A_560, %select_n3A_592 : vector<256x512xi1>, vector<256x512xi32>
    %select_n3A_594 = arith.select %lt3A_578, %add3A_574, %select_n3A_559 : vector<256x512xi1>, vector<256x512xf32>
    %select_n3A_595 = arith.select %lt3A_578, %add3A_577, %select_n3A_560 : vector<256x512xi1>, vector<256x512xi32>
    %iota3A_596 = tpu.iota {dimensions = array<i32: 1>} : vector<256x32xi32>
    %broadcast_in_dim3A_597 = arith.constant 0 : i32
    %broadcast_in_dim3A_598 = vector.broadcast %broadcast_in_dim3A_597 : i32 to vector<256x32xi32>
    %scan3A = arith.constant 0 : i32
    %scan3A_599 = arith.constant 32 : i32
    %scan3A_600 = arith.addi %scan3A, %scan3A_599 : i32
    %scan3A_601 = arith.constant 1 : i32
    %scan3A_602:8 = scf.for %scan3A_612 = %scan3A to %scan3A_600 step %scan3A_601 iter_args(%scan3A_613 = %select_n3A_594, %scan3A_614 = %select_n3A_591, %scan3A_615 = %select_n3A_587, %scan3A_616 = %select_n3A_583, %scan3A_617 = %select_n3A_595, %scan3A_618 = %select_n3A_593, %scan3A_619 = %select_n3A_589, %scan3A_620 = %broadcast_in_dim3A_598) -> (vector<256x512xf32>, vector<256x512xf32>, vector<256x512xf32>, vector<256x512xf32>, vector<256x512xi32>, vector<256x512xi32>, vector<256x512xi32>, vector<256x32xi32>)  : i32 {
      %argmin3A = tpu.reduce_index %scan3A_613 {axis = 1 : i32, kind = #tpu.reduction_kind<arg_min>} : vector<256x512xf32> -> vector<256xi32>
      %broadcast_in_dim3A_621 = vector.shape_cast %argmin3A : vector<256xi32> to vector<256x1xi32>
      %eq3A = vector.broadcast %broadcast_in_dim3A_621 : vector<256x1xi32> to vector<256x512xi32>
      %eq3A_622 = arith.cmpi eq, %iota3A, %eq3A : vector<256x512xi32>
      %jit3A = arith.constant 0 : i32
      %broadcast_in_dim3A_623 = vector.broadcast %jit3A : i32 to vector<256x512xi32>
      %select_n3A_624 = arith.select %eq3A_622, %scan3A_617, %broadcast_in_dim3A_623 : vector<256x512xi1>, vector<256x512xi32>
      %reduce_sum3A = arith.constant dense<0> : vector<256xi32>
      %reduce_sum3A_625 = vector.multi_reduction <add>, %select_n3A_624, %reduce_sum3A [1] : vector<256x512xi32> to vector<256xi32>
      %broadcast_in_dim3A_626 = vector.shape_cast %reduce_sum3A_625 : vector<256xi32> to vector<256x1xi32>
      %eq3A_627 = vector.broadcast %scan3A_612 : i32 to vector<256x32xi32>
      %eq3A_628 = arith.cmpi eq, %iota3A_596, %eq3A_627 : vector<256x32xi32>
      %broadcast_in_dim3A_629 = vector.shape_cast %broadcast_in_dim3A_626 : vector<256x1xi32> to vector<256x1xi32>
      %broadcast_in_dim3A_630 = vector.broadcast %broadcast_in_dim3A_629 : vector<256x1xi32> to vector<256x32xi32>
      %select_n3A_631 = arith.select %eq3A_628, %broadcast_in_dim3A_630, %scan3A_620 : vector<256x32xi1>, vector<256x32xi32>
      %select_n3A_632 = arith.select %eq3A_622, %scan3A_614, %scan3A_613 : vector<256x512xi1>, vector<256x512xf32>
      %select_n3A_633 = arith.select %eq3A_622, %scan3A_618, %scan3A_617 : vector<256x512xi1>, vector<256x512xi32>
      %select_n3A_634 = arith.select %eq3A_622, %scan3A_615, %scan3A_614 : vector<256x512xi1>, vector<256x512xf32>
      %select_n3A_635 = arith.select %eq3A_622, %scan3A_619, %scan3A_618 : vector<256x512xi1>, vector<256x512xi32>
      %select_n3A_636 = arith.select %eq3A_622, %scan3A_616, %scan3A_615 : vector<256x512xi1>, vector<256x512xf32>
      %select_n3A_637 = arith.select %eq3A_622, %select_n3A_585, %scan3A_619 : vector<256x512xi1>, vector<256x512xi32>
      %jit3A_638 = arith.constant 1.000000e+30 : f32
      %broadcast_in_dim3A_639 = vector.broadcast %jit3A_638 : f32 to vector<256x512xf32>
      %select_n3A_640 = arith.select %eq3A_622, %broadcast_in_dim3A_639, %scan3A_616 : vector<256x512xi1>, vector<256x512xf32>
      scf.yield %select_n3A_632, %select_n3A_634, %select_n3A_636, %select_n3A_640, %select_n3A_633, %select_n3A_635, %select_n3A_637, %select_n3A_631 : vector<256x512xf32>, vector<256x512xf32>, vector<256x512xf32>, vector<256x512xf32>, vector<256x512xi32>, vector<256x512xi32>, vector<256x512xi32>, vector<256x32xi32>
    }
    %scan3A_603 = arith.constant 32 : i32
    %mul3A_604 = arith.constant 8192 : i32
    %mul3A_605 = arith.muli %arg0, %mul3A_604 : i32
    %add3A_606 = vector.broadcast %mul3A_605 : i32 to vector<256x32xi32>
    %add3A_607 = arith.addi %scan3A_602#7, %add3A_606 : vector<256x32xi32>
    %broadcast_in_dim3A_608 = vector.shape_cast %add3A_607 : vector<256x32xi32> to vector<1x256x32xi32>
    %swap3A = arith.constant 0 : index
    %swap3A_609 = arith.constant 0 : index
    %swap3A_610 = arith.constant 0 : index
    %swap3A_611 = vector.load %arg7[%swap3A, %swap3A_609, %swap3A_610] : memref<1x256x32xi32, #tpu.memory_space<vmem>>, vector<1x256x32xi32>
    tpu.vector_store %arg7[%swap3A, %swap3A_609, %swap3A_610], %broadcast_in_dim3A_608 {strides = array<i32>} : memref<1x256x32xi32, #tpu.memory_space<vmem>>, vector<1x256x32xi32>,
    return
  }
  func.func @transform_0(%arg0: i32) -> (i32, i32, i32) {
    %c0_i32 = arith.constant 0 : i32
    %c0_i32_0 = arith.constant 0 : i32
    %c0_i32_1 = arith.constant 0 : i32
    return %arg0, %c0_i32, %c0_i32_0 : i32, i32, i32
  }
  func.func @transform_1(%arg0: i32) -> (i32, i32, i32) {
    %c0_i32 = arith.constant 0 : i32
    %c0_i32_0 = arith.constant 0 : i32
    %c0_i32_1 = arith.constant 0 : i32
    return %arg0, %c0_i32, %c0_i32_0 : i32, i32, i32
  }
  func.func @transform_2(%arg0: i32) -> (i32, i32, i32) {
    %c0_i32 = arith.constant 0 : i32
    %c0_i32_0 = arith.constant 0 : i32
    %c0_i32_1 = arith.constant 0 : i32
    return %arg0, %c0_i32, %c0_i32_0 : i32, i32, i32
  }
  func.func @transform_3(%arg0: i32) -> (i32, i32, i32) {
    %c0_i32 = arith.constant 0 : i32
    %c0_i32_0 = arith.constant 0 : i32
    %c0_i32_1 = arith.constant 0 : i32
    return %arg0, %c0_i32, %c0_i32_0 : i32, i32, i32
  }
  func.func @transform_4(%arg0: i32) -> (i32, i32, i32) {
    %c0_i32 = arith.constant 0 : i32
    %c0_i32_0 = arith.constant 0 : i32
    %c0_i32_1 = arith.constant 0 : i32
    return %arg0, %c0_i32, %c0_i32_0 : i32, i32, i32
  }
  func.func @transform_5(%arg0: i32) -> (i32, i32, i32) {
    %c0_i32 = arith.constant 0 : i32
    %c0_i32_0 = arith.constant 0 : i32
    %c0_i32_1 = arith.constant 0 : i32
    return %arg0, %c0_i32, %c0_i32_0 : i32, i32, i32
  }
  func.func @transform_6(%arg0: i32) -> (i32, i32, i32) {
    %c0_i32 = arith.constant 0 : i32
    %c0_i32_0 = arith.constant 0 : i32
    %c0_i32_1 = arith.constant 0 : i32
    return %arg0, %c0_i32, %c0_i32_0 : i32, i32, i32
  }
}

module attributes {stable_mosaic.version = 14 : i64} {
  func.func @_sub_body(%arg0: i32, %arg1: memref<4096x8xf32, #tpu.memory_space<vmem>>, %arg2: memref<128x3xf32, #tpu.memory_space<vmem>>, %arg3: memref<4096x3xf32, #tpu.memory_space<vmem>>, %arg4: memref<4096x6xf32, #tpu.memory_space<vmem>>) attributes {dimension_semantics = [#tpu.dimension_semantics<arbitrary>], iteration_bounds = array<i64: 16>, scalar_prefetch = 0 : i64, scratch_operands = 0 : i64, tpu.core_type = #tpu.core_type<tc>, window_params = [{transform_indices = @transform_0, window_bounds = array<i64: 4096, 8>}, {transform_indices = @transform_1, window_bounds = array<i64: 128, 3>}, {transform_indices = @transform_2, window_bounds = array<i64: 4096, 3>}, {transform_indices = @transform_3, window_bounds = array<i64: 4096, 6>}]} {
    %get3A = arith.constant 0 : index
    %get3A_0 = arith.constant 0 : index
    %get3A_1 = vector.load %arg1[%get3A, %get3A_0] : memref<4096x8xf32, #tpu.memory_space<vmem>>, vector<4096x8xf32>
    %slice3A = vector.extract_strided_slice %get3A_1 {offsets = [0, 0], sizes = [4096, 3], strides = [1, 1]} : vector<4096x8xf32> to vector<4096x3xf32>
    %slice3A_2 = vector.extract_strided_slice %get3A_1 {offsets = [0, 3], sizes = [4096, 3], strides = [1, 1]} : vector<4096x8xf32> to vector<4096x3xf32>
    %get3A_3 = arith.constant 0 : index
    %get3A_4 = arith.constant 0 : index
    %get3A_5 = vector.load %arg2[%get3A_3, %get3A_4] : memref<128x3xf32, #tpu.memory_space<vmem>>, vector<128x3xf32>
    %broadcast_in_dim3A = vector.shape_cast %get3A_5 : vector<128x3xf32> to vector<128x1x3xf32>
    %broadcast_in_dim3A_6 = vector.shape_cast %broadcast_in_dim3A : vector<128x1x3xf32> to vector<128x1x3xf32>
    %broadcast_in_dim3A_7 = vector.broadcast %broadcast_in_dim3A_6 : vector<128x1x3xf32> to vector<128x32x3xf32>
    %reshape3A = vector.shape_cast %broadcast_in_dim3A_7 : vector<128x32x3xf32> to vector<4096x3xf32>
    %sub3A = arith.subf %slice3A, %reshape3A : vector<4096x3xf32>
    %swap3A = arith.constant 0 : index
    %swap3A_8 = arith.constant 0 : index
    %swap3A_9 = vector.load %arg3[%swap3A, %swap3A_8] : memref<4096x3xf32, #tpu.memory_space<vmem>>, vector<4096x3xf32>
    tpu.vector_store %arg3[%swap3A, %swap3A_8], %sub3A {strides = array<i32>} : memref<4096x3xf32, #tpu.memory_space<vmem>>, vector<4096x3xf32>,
    %concatenate3A = tpu.concatenate %sub3A, %slice3A_2 in 1 : vector<4096x3xf32>, vector<4096x3xf32> -> vector<4096x6xf32>
    %swap3A_10 = arith.constant 0 : index
    %swap3A_11 = arith.constant 0 : index
    %swap3A_12 = vector.load %arg4[%swap3A_10, %swap3A_11] : memref<4096x6xf32, #tpu.memory_space<vmem>>, vector<4096x6xf32>
    tpu.vector_store %arg4[%swap3A_10, %swap3A_11], %concatenate3A {strides = array<i32>} : memref<4096x6xf32, #tpu.memory_space<vmem>>, vector<4096x6xf32>,
    return
  }
  func.func @transform_0(%arg0: i32) -> (i32, i32) {
    %c0_i32 = arith.constant 0 : i32
    %c0_i32_0 = arith.constant 0 : i32
    return %arg0, %c0_i32 : i32, i32
  }
  func.func @transform_1(%arg0: i32) -> (i32, i32) {
    %c0_i32 = arith.constant 0 : i32
    %c0_i32_0 = arith.constant 0 : i32
    return %arg0, %c0_i32 : i32, i32
  }
  func.func @transform_2(%arg0: i32) -> (i32, i32) {
    %c0_i32 = arith.constant 0 : i32
    %c0_i32_0 = arith.constant 0 : i32
    return %arg0, %c0_i32 : i32, i32
  }
  func.func @transform_3(%arg0: i32) -> (i32, i32) {
    %c0_i32 = arith.constant 0 : i32
    %c0_i32_0 = arith.constant 0 : i32
    return %arg0, %c0_i32 : i32, i32
  }
}

</mosaic_0001>

<sc_bundles>
// kernel: kernel.6.cloned.1.call-start
scs
__scs_entry_jumppad:
0x0: {  	(pc) =	sbr.rel $0x88, $3  }
0x1: {  	(tag) =	ssettag $0x0;
	lr =	simm.s32 $0x1  }
0x2: {  	[smem:$0x3F9F] =	sst lr;
	_ =	strace $0xD0000000  }
0x3: {  	_ = 	snop  }
0x4: {  	_ = 	snop  }
0x5: {  	_ = 	snop  }
0x6: {  	_ = 	snop  }
0x7: {  	_ = 	snop  }
__scs_overlays_trampoline_lowered:
0x8: {  	[smem:$0x3FAE] =	sst s0  }
0x9: {  	[smem:$0x3FAF] =	sst s1  }
0xa: {  	[smem:$0x3FB0] =	sst s2  }
0xb: {  	[smem:$0x3FB1] =	sst s3  }
0xc: {  	[smem:$0x3FB2] =	sst s4  }
0xd: {  	[smem:$0x3FB3] =	sst s5  }
0xe: {  	[smem:$0x3FB4] =	sst s6  }
0xf: {  	[smem:$0x3FB5] =	sst s7  }
0x10: {  	[smem:$0x3FB6] =	sst s8  }
0x11: {  	[smem:$0x3FB7] =	sst s9;
	s0 =	simm.s32 @!p0 $0x0  }
0x12: {  	s1 =	sld [smem:$0x3F9D];
	s0 =	simm.s32 @p0 $0x1  }
0x13: {  	[smem:$0x3FB8] =	sst s0;
	s0 =	simm.s32 @!p1 $0x0  }
0x14: {  	s2 =	sld [smem:$0x3F9C];
	s0 =	simm.s32 @p1 $0x1  }
0x15: {  	[smem:$0x3FB9] =	sst s0;
	s0 =	simm.s32 @!p2 $0x0  }
0x16: {  	s3 =	sld [smem:$0x3FDB];
	s0 =	simm.s32 @p2 $0x1  }
0x17: {  	s4 =	simm.s32 $0x1BF5;
	[smem:$0x3FBB] =	sst s0  }
0x18: {  	s0 =	sld [smem:$0x3F9E];
	_ =	swait.ge [sflag:s4], $0x0  }
0x19: {  	s7 =	sld [smem:$0x3F9F]  }
0x1a: {  	s8 =	sadd.s32 $0xFFFFE003, lr  }
0x1b: {  	s9 =	sadd.s32 $0xFFFFFEF7, lr;
	s5 =	simm.s32 $0xFFFFFFFF;
	p2 =	slt.u32 s8, $0xFFFFF086  }
0x1c: {  	p1 =	slt.u32 s9, $0xF7A;
	s5 =	simm.s32 @!p2 $0x0  }
0x1d: {  	s5 =	simm.s32 @p1 $0x1;
	p0 =	seq.s32 s7, s2  }
0x1e: {  	s7 =	smul.u32 @!p0 $0xF7A, s2;
	p2 =	seq.s32 @!p0 s5, $0x0  }
0x1f: {  	s9 =	smul.u32 $0xF7A, s1;
	s8 =	simm.s32 @!p0 $0x1BF5;
	p2 =	por !p2, p0  }
0x20: {  	[sflag:s8] =	ssyncset.s32 @!p0 $0xFFFFF086;
	s6 =	sadd.s32 @!p0 s3, s7;
	s7 =	simm.s32 @!p0 $0x108  }
0x21: {  	s3 =	sadd.s32 s3, s9;
	s6 =	sadd.s32 @!p0 $0x88, s6;
	s7 =	simm.s32 @p2 $0x1082  }
0x22: {  	[simem:s7], [sflag:s8] =	dma.local @!p0 [hbm:s6], $0xF7A  }
0x23: {  	s9 =	sor.u32 $0xD0000000, s2;
	s6 =	simm.s32 $0x108;
	_ =	swait.ge @!p0 [sflag:s8], $0x0  }
0x24: {  	s3 =	sadd.s32 $0x88, s3;
	s6 =	simm.s32 @!p1 $0x1082;
	[sflag:s4] =	ssyncset.s32 $0xFFFFF086  }
0x25: {  	[simem:s6], [sflag:s4] =	dma.local [hbm:s3], $0xF7A  }
0x26: {  	[smem:$0x3F9F] =	sst s1;
	(tag) =	ssettag s2;
	_ =	strace s9  }
0x27: {  	s1 =	sld [smem:$0x3FAF]  }
0x28: {  	s2 =	sld [smem:$0x3FB0]  }
0x29: {  	s4 =	sld [smem:$0x3FB2]  }
0x2a: {  	p0 =	seq.s32 s5, $0x0;
	s5 =	sld [smem:$0x3FB3]  }
0x2b: {  	s6 =	sld [smem:$0x3FB4]  }
0x2c: {  	s7 =	sld [smem:$0x3FB5]  }
0x2d: {  	s3 =	simm.s32 $0x108;
	s8 =	sld [smem:$0x3FB6]  }
0x2e: {  	s3 =	simm.s32 @!p0 $0x1082;
	s9 =	sld [smem:$0x3FB7]  }
0x2f: {  	lr =	sadd.s32 s0, s3;
	s0 =	sld [smem:$0x3FAE]  }
0x30: {  	s3 =	sld [smem:$0x3FB1]  }
0x31: {  	[smem:$0x3FBA] =	sst s10  }
0x32: {  	s10 =	sld [smem:$0x3FB8];
	_ =	sdelay $0x3  }
0x33: {  	p0 =	seq.s32 s10, $0x1;
	s10 =	sld [smem:$0x3FBA];
	_ =	sdelay $0x3  }
0x34: {  	[smem:$0x3FBA] =	sst s10  }
0x35: {  	s10 =	sld [smem:$0x3FB9];
	_ =	sdelay $0x3  }
0x36: {  	p1 =	seq.s32 s10, $0x1;
	s10 =	sld [smem:$0x3FBA];
	_ =	sdelay $0x3  }
0x37: {  	[smem:$0x3FBA] =	sst s10  }
0x38: {  	s10 =	sld [smem:$0x3FBB]  }
0x39: {  	_ = 	snop;
	(pc) =	sbr.ind lr, $3  }
0x3a: {  	_ = 	snop  }
0x3b: {  	_ = 	snop  }
0x3c: {  	p2 =	seq.s32 s10, $0x1;
	s10 =	sld [smem:$0x3FBA]  }
0x3d: {  	_ =	shalt  }
0x3e: {  	_ =	shalt  }
0x3f: {  	_ =	shalt  }
0x40: {  	_ =	shalt  }
0x41: {  	_ =	shalt  }
0x42: {  	_ =	shalt  }
0x43: {  	_ =	shalt  }
0x44: {  	_ =	shalt  }
0x45: {  	_ =	shalt  }
0x46: {  	_ =	shalt  }
0x47: {  	_ =	shalt  }
0x48: {  	_ =	shalt  }
0x49: {  	_ =	shalt  }
0x4a: {  	_ =	shalt  }
0x4b: {  	_ =	shalt  }
0x4c: {  	_ =	shalt  }
0x4d: {  	_ =	shalt  }
0x4e: {  	_ =	shalt  }
0x4f: {  	_ =	shalt  }
0x50: {  	_ =	shalt  }
0x51: {  	_ =	shalt  }
0x52: {  	_ =	shalt  }
0x53: {  	_ =	shalt  }
0x54: {  	_ =	shalt  }
0x55: {  	_ =	shalt  }
0x56: {  	_ =	shalt  }
0x57: {  	_ =	shalt  }
0x58: {  	_ =	shalt  }
0x59: {  	_ =	shalt  }
0x5a: {  	_ =	shalt  }
0x5b: {  	_ =	shalt  }
0x5c: {  	_ =	shalt  }
0x5d: {  	_ =	shalt  }
0x5e: {  	_ =	shalt  }
0x5f: {  	_ =	shalt  }
0x60: {  	_ =	shalt  }
0x61: {  	_ =	shalt  }
0x62: {  	_ =	shalt  }
0x63: {  	_ =	shalt  }
0x64: {  	_ =	shalt  }
0x65: {  	_ =	shalt  }
0x66: {  	_ =	shalt  }
0x67: {  	_ =	shalt  }
0x68: {  	_ =	shalt  }
0x69: {  	_ =	shalt  }
0x6a: {  	_ =	shalt  }
0x6b: {  	_ =	shalt  }
0x6c: {  	_ =	shalt  }
0x6d: {  	_ =	shalt  }
0x6e: {  	_ =	shalt  }
0x6f: {  	_ =	shalt  }
0x70: {  	_ =	shalt  }
0x71: {  	_ =	shalt  }
0x72: {  	_ =	shalt  }
0x73: {  	_ =	shalt  }
0x74: {  	_ =	shalt  }
0x75: {  	_ =	shalt  }
0x76: {  	_ =	shalt  }
0x77: {  	_ =	shalt  }
0x78: {  	_ =	shalt  }
0x79: {  	_ =	shalt  }
0x7a: {  	_ =	shalt  }
0x7b: {  	_ =	shalt  }
0x7c: {  	_ =	shalt  }
0x7d: {  	_ =	shalt  }
0x7e: {  	_ =	shalt  }
0x7f: {  	_ =	shalt  }
0x80: {  	_ =	shalt  }
0x81: {  	_ =	shalt  }
0x82: {  	_ =	shalt  }
0x83: {  	_ =	shalt  }
0x84: {  	_ =	shalt  }
0x85: {  	_ =	shalt  }
0x86: {  	_ =	shalt  }
0x87: {  	_ =	shalt  }
.Lfunc_end0:
.L_simem_size_0:
called_computation_lowered:
.L_overlay_start_0:
0x88: {  	s2 =	sld [smem:$0x3FD9]  }
0x89: {  	s3 =	sld [smem:$0x3FFE];
	_ =	sdelay $0x1  }
0x8a: {  	s1 =	srdreg.scid  }
0x8b: {  	s0 =	sand.u32 $0x1, s1  }
0x8c: {  	s14 =	sshll.u32 s0, $0xA;
	s2 =	sadd.s32 s3, s2  }
0x8d: {  	s2 =	sadd.s32 s2, s14  }
0x8e: {  	[smem:$0x3FC6] =	sst s2  }
0x8f: {  	_ = 	snop  }
0x90: {  	s2 =	sld [smem:$0x3FD0];
	_ =	sdelay $0x2  }
0x91: {  	s15 =	simm.s32 $0xA;
	s4 =	simm.s32 $0x10  }
0x92: {  	[smem:s4], [sflag:s15] =	dma.local [hbm:s2], $0x1  }
0x93: {  	_ =	swait.eq [sflag:s15], $0x1  }
0x94: {  	[sflag:s15] =	ssyncset.done $0x0  }
0x95: {  	[sflag:s15] =	ssyncadd.s32 $0xFFFFFFFF  }
0x96: {  	s16 =	sld [smem:$0x10];
	(tm) =	ssettm $0x1  }
0x97: {  	s17 =	sld [smem:$0x3FFB];
	_ =	sdelay $0x3  }
0x98: {  	_ =	strace s17  }
0x99: {  	s3 =	sld [smem:$0x3FFC];
	_ =	sdelay $0x3  }
0x9a: {  	_ =	strace s3  }
0x9b: {  	s3 =	sld [smem:$0x3FFD];
	_ =	sdelay $0x3  }
0x9c: {  	_ =	strace s3  }
0x9d: {  	_ =	strace $0x8FFFFFFF  }
0x9e: {  	s18 =	sld [smem:$0x3FDB];
	_ =	sdelay $0x1  }
0x9f: {  	s19 =	simm.s32 $_scs_section_size  }
0xa0: {  	s5 =	simm.s32 $_size__tile_overlayer_lowered;
	s6 =	simm.s32 $_tile_overlayer_lowered  }
0xa1: {  	s22 =	simm.s32 $0x1BFF;
	s21 =	sshll.u32 s6, $0x1;
	s3 =	sadd.s32 s19, s18  }
0xa2: {  	s7 =	simm.s32 $0x0;
	s20 =	sshll.u32 s5, $0x1;
	s5 =	sadd.s32 s21, s3  }
0xa3: {  	[timem:s7], [sflag:s22] =	dma.local [hbm:s5], s20  }
0xa4: {  	_ =	swait.ge [sflag:s22], s20  }
0xa5: {  	s4 =	ssub.s32 $0x0, s20;
	[sflag:s22] =	ssyncset.done $0x0  }
0xa6: {  	[sflag:s22] =	ssyncadd.s32 s4;
	_ =	sdelay $0x1  }
0xa7: {  	s23 =	simm.s32 $0x1B8B  }
0xa8: {  	_ =	swait.ge [sflag:s23], $0x1  }
0xa9: {  	[sflag:s23] =	ssyncset.done $0x0  }
0xaa: {  	s25 =	simm.s32 $0x1B8E;
	s24 =	sld [smem:$0x3FFE];
	[sflag:s23] =	ssyncadd.s32 $0xFFFFFFFF  }
0xab: {  	s26 =	simm.s32 $execute0_lowered;
	[smem:$0x3FD2] =	sst s25  }
0xac: {  	s5 =	sshll.u32 s26, $0x1;
	_ =	strace $0x80000046;
	[dreg:$0x1] =	wrdreg $0xFFFFFFFF  }
0xad: {  	s28 =	simm.s32 $_size_execute0_lowered;
	s3 =	sadd.s32 s3, s5;
	[dreg:$0x0] =	wrdreg $0x0  }
0xae: {  	s5 =	sshll.u32 s28, $0x1;
	[dreg:$0x2] =	wrdreg s3  }
0xaf: {  	[dreg:$0x3] =	wrdreg s5  }
0xb0: {  	[dreg:$0x4] =	wrdreg $0xC0  }
0xb1: {  	_ =	task [dreg:s7], $0x5FFFF  }
0xb2: {  	[dreg:$0x1] =	wrdreg $0xFFFFFFFF  }
0xb3: {  	[dreg:$0x0] =	wrdreg $0x60  }
0xb4: {  	[dreg:$0x2] =	wrdreg s24  }
0xb5: {  	[dreg:$0x3] =	wrdreg s16  }
0xb6: {  	[dreg:$0x4] =	wrdreg $0x9  }
0xb7: {  	_ =	task.clear_ibuf [dreg:s7], $0x5FFFF;
	_ =	strace $0x90000046  }
0xb8: {  	s29 =	simm.s32 $0x9;
	_ =	strace $0x80000048  }
0xb9: {  	_ =	swait.ge [sflag:s29], $0x1  }
0xba: {  	[sflag:s29] =	ssyncadd.s32 $0xFFFFFFFF  }
0xbb: {  	_ =	strace $0x90000048  }
0xbc: {  	_ =	sfence  }
0xbd: {  	s30 =	sld [smem:$0x0];
	_ =	sdelay $0x2  }
0xbe: {  	s31 =	sshll.u32 s1, $0xD;
	s1 =	sshrl.u32 s1, $0x2  }
0xbf: {  	s3 =	sand.u32 $0x4000, s31;
	s1 =	sadd.s32 s1, s30  }
0xc0: {  	s0 =	sor.u32 s3, s0;
	s1 =	sshll.u32 s1, $0x11  }
0xc1: {  	s0 =	sor.u32 s1, s0  }
0xc2: {  	s0 =	sadd.s32 $0x8F2B, s0  }
0xc3: {  	[sflag:s0] =	ssyncadd.remote.s32 $0x1  }
0xc4: {  	_ =	sfence.sel $0xFFFF  }
0xc5: {  	[dreg:$0x0] =	wrdreg $0xFFFFFFFF;
	(pc) =	sbr.abs _section_cstart, $3  }
0xc6: {  	[dreg:$0x1] =	wrdreg $0xFFFFFFFF  }
0xc7: {  	_ =	task.clear_ibuf [dreg:s7], $0x2FFFF;
	_ =	strace $0x9FFFFFFF  }
0xc8: {  	(tm) =	ssettm $0x7FFFFFFF  }
0xc9: {  	_ =	shalt  }
tec
execute0_lowered:
.L_overlay_start_1:
0x0: {  	(tag) =	ssettag $0x1  }
0x1: {  	s1 =	rddreg [dreg:$0x0];
	s2 =	srdreg.scid  }
0x2: {  	s0 =	stileid.u32;
	s3 =	rddreg [dreg:$0x1];
	s7 =	simm.s32 $0x100  }
0x3: {  	s8 =	simm.s32 $0x1000;
	s9 =	simm.s32 $0x180;
	s25 =	simm.s32 $0x1400  }
0x4: {  	s26 =	simm.s32 $0x200;
	s11 =	simm.s32 $0x300;
	s12 =	simm.s32 $0x2000  }
0x5: {  	s13 =	simm.s32 $0x380;
	s14 =	simm.s32 $0x2400;
	s15 =	simm.s32 $0x400  }
0x6: {  	s16 =	simm.s32 $0x2800;
	s17 =	simm.s32 $0x480;
	s18 =	simm.s32 $0x2C00  }
0x7: {  	s19 =	simm.s32 $0x500;
	s20 =	simm.s32 $0x3000;
	s21 =	simm.s32 $0x580  }
0x8: {  	s22 =	simm.s32 $0x3400;
	s23 =	simm.s32 $0x600;
	s24 =	simm.s32 $0x3800  }
0x9: {  	s4 =	sand.u32 $0x1, s2;
	s5 =	sshll.u32 s0, $0x1;
	s2 =	simm.s32 $0x0  }
0xa: {  	p0 =	por $0x0, $0x0;
	s5 =	sor.u32 s4, s5;
	[smem:$0x7FF] =	sst s2  }
0xb: {  	s6 =	sshll.u32 s5, $0xB;
	s5 =	sshll.u32 s5, $0x8;
	_ =	strace $0x80000047  }
0xc: {  	[dreg:$0x6] =	wrdreg s7;
	s3 =	sadd.s32 s3, s5;
	s5 =	ssub.s32 $0x2, s4  }
0xd: {  	[dreg:$0x3] =	wrdreg s3;
	s3 =	simm.s32 $0xC00;
	s4 =	sshrl.u32 s5, $0x1  }
0xe: {  	s28 =	simm.s32 $0x700;
	[dreg:$0x5] =	wrdreg s3;
	s3 =	ssub.s32 s5, s4  }
0xf: {  	s29 =	simm.s32 $0x4000;
	[dreg:$0x7] =	wrdreg s8;
	s10 =	smax.u32 s3, $0x1  }
0x10: {  	s30 =	simm.s32 $0x780;
	[dreg:$0x8] =	wrdreg s9;
	p1 =	sne.s32 s10, $0x1  }
.Ltmp0:
0x11: {  	s31 =	simm.s32 $0x4400;
	[dreg:$0x9] =	wrdreg s25;
	(pc) =	sbr.rel @!p1 .LBB2_3-.Ltmp0, $4  }
0x12: {  	s7 =	simm.s32 $0x80;
	[dreg:$0xa] =	wrdreg s26;
	s6 =	sadd.s32 s6, s1  }
0x13: {  	s25 =	simm.s32 $0x680;
	s26 =	simm.s32 $0x3C00;
	s0 =	sadd.s32 $0xE00, s6  }
0x14: {  	s6 =	sadd.s32 $0x100E00, s1;
	[dreg:$0x4] =	wrdreg s0;
	s4 =	simm.s32 $0x800  }
0x15: {  	s5 =	simm.s32 $0x1;
	s3 =	simm.s32 $0x2;
	s8 =	sadd.s32 $0xFFFFFFFF, s10  }
0x16: {  	s0 =	rddreg [dreg:$0x3]  }
0x17: {  	[tilespmem:s2], [sflag:$0x2] =	stream.linear.gather [hbm4b:s0+s2], $0x800, $0x38;
	[tilespmem:$0x4800] =	vst v63  }
0x18: {  	_ =	swait.ge [sflag:s3], $0x800  }
0x19: {  	s10 =	rddreg [dreg:$0x6]  }
0x1a: {  	s1 =	rddreg [dreg:$0x5]  }
0x1b: {  	s0 =	rddreg [dreg:$0x7]  }
0x1c: {  	[sflag:s3] =	ssyncset.done $0x0;
	[dreg:$0xb] =	wrdreg s10  }
0x1d: {  	[sflag:s3] =	ssyncadd.s32 $0xFFFFF800;
	s10 =	rddreg [dreg:$0x9]  }
0x1e: {  	[tilespmem:s4], [sflag:$0x1] =	stream.indirect.gather [hbm4b:s6+s7], $0x8, s2, s7, $0xb8;
	[tilespmem:$0x4800] =	vst v63  }
0x1f: {  	[dreg:$0xc] =	wrdreg s10  }
0x20: {  	s10 =	rddreg [dreg:$0xb]  }
0x21: {  	[tilespmem:s1], [sflag:$0x1] =	stream.indirect.gather [hbm4b:s6+s7], $0x8, s7, s7, $0xb8;
	[tilespmem:$0x4800] =	vst v63  }
0x22: {  	s1 =	rddreg [dreg:$0x8]  }
0x23: {  	[tilespmem:s0], [sflag:$0x1] =	stream.indirect.gather [hbm4b:s6+s7], $0x8, s10, s7, $0xb8;
	[tilespmem:$0x4800] =	vst v63  }
0x24: {  	s10 =	rddreg [dreg:$0xc]  }
0x25: {  	[tilespmem:s10], [sflag:$0x1] =	stream.indirect.gather [hbm4b:s6+s7], $0x8, s1, s7, $0xb8;
	[tilespmem:$0x4800] =	vst v63  }
0x26: {  	s9 =	simm.s32 $0x1800;
	s0 =	rddreg [dreg:$0xa]  }
0x27: {  	[tilespmem:s9], [sflag:$0x1] =	stream.indirect.gather [hbm4b:s6+s7], $0x8, s0, s7, $0xb8;
	[tilespmem:$0x4800] =	vst v63  }
0x28: {  	s1 =	simm.s32 $0x280;
	s9 =	simm.s32 $0x1C00  }
0x29: {  	[tilespmem:s9], [sflag:$0x1] =	stream.indirect.gather [hbm4b:s6+s7], $0x8, s1, s7, $0xb8;
	[tilespmem:$0x4800] =	vst v63  }
0x2a: {  	_ = 	snop  }
0x2b: {  	[tilespmem:s12], [sflag:$0x1] =	stream.indirect.gather [hbm4b:s6+s7], $0x8, s11, s7, $0xb8;
	[tilespmem:$0x4800] =	vst v63  }
0x2c: {  	_ = 	snop  }
0x2d: {  	[tilespmem:s14], [sflag:$0x1] =	stream.indirect.gather [hbm4b:s6+s7], $0x8, s13, s7, $0xb8;
	[tilespmem:$0x4800] =	vst v63  }
0x2e: {  	_ = 	snop  }
0x2f: {  	[tilespmem:s16], [sflag:$0x1] =	stream.indirect.gather [hbm4b:s6+s7], $0x8, s15, s7, $0xb8;
	[tilespmem:$0x4800] =	vst v63  }
0x30: {  	_ = 	snop  }
0x31: {  	[tilespmem:s18], [sflag:$0x1] =	stream.indirect.gather [hbm4b:s6+s7], $0x8, s17, s7, $0xb8;
	[tilespmem:$0x4800] =	vst v63  }
0x32: {  	_ = 	snop  }
0x33: {  	[tilespmem:s20], [sflag:$0x1] =	stream.indirect.gather [hbm4b:s6+s7], $0x8, s19, s7, $0xb8;
	[tilespmem:$0x4800] =	vst v63  }
0x34: {  	_ = 	snop  }
0x35: {  	[tilespmem:s22], [sflag:$0x1] =	stream.indirect.gather [hbm4b:s6+s7], $0x8, s21, s7, $0xb8;
	[tilespmem:$0x4800] =	vst v63  }
0x36: {  	_ = 	snop  }
0x37: {  	[tilespmem:s24], [sflag:$0x1] =	stream.indirect.gather [hbm4b:s6+s7], $0x8, s23, s7, $0xb8;
	[tilespmem:$0x4800] =	vst v63  }
0x38: {  	_ = 	snop  }
0x39: {  	[tilespmem:s26], [sflag:$0x1] =	stream.indirect.gather [hbm4b:s6+s7], $0x8, s25, s7, $0xb8;
	[tilespmem:$0x4800] =	vst v63  }
0x3a: {  	_ = 	snop  }
0x3b: {  	[tilespmem:s29], [sflag:$0x1] =	stream.indirect.gather [hbm4b:s6+s7], $0x8, s28, s7, $0xb8;
	[tilespmem:$0x4800] =	vst v63  }
0x3c: {  	_ = 	snop  }
0x3d: {  	[tilespmem:s31], [sflag:$0x1] =	stream.indirect.gather [hbm4b:s6+s7], $0x8, s30, s7, $0xb8;
	[tilespmem:$0x4800] =	vst v63  }
0x3e: {  	_ =	swait.ge [sflag:s5], $0x400  }
0x3f: {  	[sflag:s5] =	ssyncset.done $0x0  }
0x40: {  	[sflag:s5] =	ssyncadd.s32 $0xFFFFFC00  }
0x41: {  	_ =	swait.ge [sflag:s5], $0x400  }
0x42: {  	[sflag:s5] =	ssyncset.done $0x0  }
0x43: {  	[sflag:s5] =	ssyncadd.s32 $0xFFFFFC00  }
0x44: {  	_ =	swait.ge [sflag:s5], $0x400  }
0x45: {  	[sflag:s5] =	ssyncset.done $0x0  }
0x46: {  	[sflag:s5] =	ssyncadd.s32 $0xFFFFFC00  }
0x47: {  	_ =	swait.ge [sflag:s5], $0x400  }
0x48: {  	[sflag:s5] =	ssyncset.done $0x0  }
0x49: {  	[sflag:s5] =	ssyncadd.s32 $0xFFFFFC00  }
0x4a: {  	_ =	swait.ge [sflag:s5], $0x400  }
0x4b: {  	[sflag:s5] =	ssyncset.done $0x0  }
0x4c: {  	[sflag:s5] =	ssyncadd.s32 $0xFFFFFC00  }
0x4d: {  	_ =	swait.ge [sflag:s5], $0x400  }
0x4e: {  	[sflag:s5] =	ssyncset.done $0x0  }
0x4f: {  	[sflag:s5] =	ssyncadd.s32 $0xFFFFFC00  }
0x50: {  	_ =	swait.ge [sflag:s5], $0x400  }
0x51: {  	[sflag:s5] =	ssyncset.done $0x0  }
0x52: {  	[sflag:s5] =	ssyncadd.s32 $0xFFFFFC00  }
0x53: {  	_ =	swait.ge [sflag:s5], $0x400  }
0x54: {  	[sflag:s5] =	ssyncset.done $0x0  }
0x55: {  	[sflag:s5] =	ssyncadd.s32 $0xFFFFFC00  }
0x56: {  	_ =	swait.ge [sflag:s5], $0x400  }
0x57: {  	[sflag:s5] =	ssyncset.done $0x0  }
0x58: {  	[sflag:s5] =	ssyncadd.s32 $0xFFFFFC00  }
0x59: {  	_ =	swait.ge [sflag:s5], $0x400  }
0x5a: {  	[sflag:s5] =	ssyncset.done $0x0  }
0x5b: {  	[sflag:s5] =	ssyncadd.s32 $0xFFFFFC00  }
0x5c: {  	_ =	swait.ge [sflag:s5], $0x400  }
0x5d: {  	[sflag:s5] =	ssyncset.done $0x0  }
0x5e: {  	[sflag:s5] =	ssyncadd.s32 $0xFFFFFC00  }
0x5f: {  	_ =	swait.ge [sflag:s5], $0x400  }
0x60: {  	[sflag:s5] =	ssyncset.done $0x0  }
0x61: {  	[sflag:s5] =	ssyncadd.s32 $0xFFFFFC00  }
0x62: {  	_ =	swait.ge [sflag:s5], $0x400  }
0x63: {  	[sflag:s5] =	ssyncset.done $0x0  }
0x64: {  	[sflag:s5] =	ssyncadd.s32 $0xFFFFFC00  }
0x65: {  	_ =	swait.ge [sflag:s5], $0x400  }
0x66: {  	[sflag:s5] =	ssyncset.done $0x0  }
0x67: {  	[sflag:s5] =	ssyncadd.s32 $0xFFFFFC00  }
0x68: {  	_ =	swait.ge [sflag:s5], $0x400  }
0x69: {  	p1 =	sne.s32 s8, $0x1;
	[sflag:s5] =	ssyncset.done $0x0  }
.Ltmp1:
0x6a: {  	[sflag:s5] =	ssyncadd.s32 $0xFFFFFC00;
	(pc) =	sbr.rel @!p1 .LBB2_3-.Ltmp1, $4  }
0x6b: {  	_ =	swait.ge [sflag:s5], $0x400  }
0x6c: {  	p0 =	por $0x1, $0x1;
	[sflag:s5] =	ssyncset.done $0x0  }
0x6d: {  	s1 =	sadd.s32 $0xFFFFFFFF, s8;
	s10 =	rddreg [dreg:$0x4];
	[sflag:s5] =	ssyncadd.s32 $0xFFFFFC00  }
0x6e: {  	[hbm4b:s10+s2] =	stream.linear.scatter [tilespmem:s4], [sflag:$0x2], $0x4000, $0x38;
	[tilespmem:$0x4800] =	vst v63  }
.LBB2_2:
0x6f: {  	_ =	swait.ge [sflag:s3], $0x4000  }
0x70: {  	[sflag:s3] =	ssyncset.done $0x0  }
0x71: {  	s0 =	rddreg [dreg:$0x3];
	[sflag:s3] =	ssyncadd.s32 $0xFFFFC000  }
0x72: {  	[tilespmem:s2], [sflag:$0x2] =	stream.linear.gather [hbm4b:s0+s2], $0x800, $0x38;
	[tilespmem:$0x4800] =	vst v63  }
0x73: {  	_ =	swait.ge [sflag:s3], $0x800  }
0x74: {  	s0 =	rddreg [dreg:$0x6];
	[sflag:s3] =	ssyncset.done $0x0  }
0x75: {  	s8 =	rddreg [dreg:$0x5];
	[sflag:s3] =	ssyncadd.s32 $0xFFFFF800  }
0x76: {  	[tilespmem:s4], [sflag:$0x1] =	stream.indirect.gather [hbm4b:s6+s7], $0x8, s2, s7, $0xb8;
	[tilespmem:$0x4800] =	vst v63  }
0x77: {  	s9 =	rddreg [dreg:$0x7]  }
0x78: {  	[tilespmem:s8], [sflag:$0x1] =	stream.indirect.gather [hbm4b:s6+s7], $0x8, s7, s7, $0xb8;
	[tilespmem:$0x4800] =	vst v63  }
0x79: {  	s10 =	rddreg [dreg:$0x9]  }
0x7a: {  	[tilespmem:s9], [sflag:$0x1] =	stream.indirect.gather [hbm4b:s6+s7], $0x8, s0, s7, $0xb8;
	[tilespmem:$0x4800] =	vst v63  }
0x7b: {  	s8 =	rddreg [dreg:$0x8]  }
0x7c: {  	[tilespmem:s10], [sflag:$0x1] =	stream.indirect.gather [hbm4b:s6+s7], $0x8, s8, s7, $0xb8;
	[tilespmem:$0x4800] =	vst v63  }
0x7d: {  	s0 =	rddreg [dreg:$0xa];
	s8 =	simm.s32 $0x1800  }
0x7e: {  	[tilespmem:s8], [sflag:$0x1] =	stream.indirect.gather [hbm4b:s6+s7], $0x8, s0, s7, $0xb8;
	[tilespmem:$0x4800] =	vst v63  }
0x7f: {  	s9 =	simm.s32 $0x280;
	s10 =	simm.s32 $0x1C00  }
0x80: {  	[tilespmem:s10], [sflag:$0x1] =	stream.indirect.gather [hbm4b:s6+s7], $0x8, s9, s7, $0xb8;
	[tilespmem:$0x4800] =	vst v63  }
0x81: {  	_ = 	snop  }
0x82: {  	[tilespmem:s12], [sflag:$0x1] =	stream.indirect.gather [hbm4b:s6+s7], $0x8, s11, s7, $0xb8;
	[tilespmem:$0x4800] =	vst v63  }
0x83: {  	_ = 	snop  }
0x84: {  	[tilespmem:s14], [sflag:$0x1] =	stream.indirect.gather [hbm4b:s6+s7], $0x8, s13, s7, $0xb8;
	[tilespmem:$0x4800] =	vst v63  }
0x85: {  	_ = 	snop  }
0x86: {  	[tilespmem:s16], [sflag:$0x1] =	stream.indirect.gather [hbm4b:s6+s7], $0x8, s15, s7, $0xb8;
	[tilespmem:$0x4800] =	vst v63  }
0x87: {  	_ = 	snop  }
0x88: {  	[tilespmem:s18], [sflag:$0x1] =	stream.indirect.gather [hbm4b:s6+s7], $0x8, s17, s7, $0xb8;
	[tilespmem:$0x4800] =	vst v63  }
0x89: {  	_ = 	snop  }
0x8a: {  	[tilespmem:s20], [sflag:$0x1] =	stream.indirect.gather [hbm4b:s6+s7], $0x8, s19, s7, $0xb8;
	[tilespmem:$0x4800] =	vst v63  }
0x8b: {  	_ = 	snop  }
0x8c: {  	[tilespmem:s22], [sflag:$0x1] =	stream.indirect.gather [hbm4b:s6+s7], $0x8, s21, s7, $0xb8;
	[tilespmem:$0x4800] =	vst v63  }
0x8d: {  	_ = 	snop  }
0x8e: {  	[tilespmem:s24], [sflag:$0x1] =	stream.indirect.gather [hbm4b:s6+s7], $0x8, s23, s7, $0xb8;
	[tilespmem:$0x4800] =	vst v63  }
0x8f: {  	_ = 	snop  }
0x90: {  	[tilespmem:s26], [sflag:$0x1] =	stream.indirect.gather [hbm4b:s6+s7], $0x8, s25, s7, $0xb8;
	[tilespmem:$0x4800] =	vst v63  }
0x91: {  	_ = 	snop  }
0x92: {  	[tilespmem:s29], [sflag:$0x1] =	stream.indirect.gather [hbm4b:s6+s7], $0x8, s28, s7, $0xb8;
	[tilespmem:$0x4800] =	vst v63  }
0x93: {  	_ = 	snop  }
0x94: {  	[tilespmem:s31], [sflag:$0x1] =	stream.indirect.gather [hbm4b:s6+s7], $0x8, s30, s7, $0xb8;
	[tilespmem:$0x4800] =	vst v63  }
0x95: {  	_ =	swait.ge [sflag:s5], $0x400  }
0x96: {  	[sflag:s5] =	ssyncset.done $0x0  }
0x97: {  	[sflag:s5] =	ssyncadd.s32 $0xFFFFFC00  }
0x98: {  	_ =	swait.ge [sflag:s5], $0x400  }
0x99: {  	[sflag:s5] =	ssyncset.done $0x0  }
0x9a: {  	[sflag:s5] =	ssyncadd.s32 $0xFFFFFC00  }
0x9b: {  	_ =	swait.ge [sflag:s5], $0x400  }
0x9c: {  	[sflag:s5] =	ssyncset.done $0x0  }
0x9d: {  	[sflag:s5] =	ssyncadd.s32 $0xFFFFFC00  }
0x9e: {  	_ =	swait.ge [sflag:s5], $0x400  }
0x9f: {  	[sflag:s5] =	ssyncset.done $0x0  }
0xa0: {  	[sflag:s5] =	ssyncadd.s32 $0xFFFFFC00  }
0xa1: {  	_ =	swait.ge [sflag:s5], $0x400  }
0xa2: {  	[sflag:s5] =	ssyncset.done $0x0  }
0xa3: {  	[sflag:s5] =	ssyncadd.s32 $0xFFFFFC00  }
0xa4: {  	_ =	swait.ge [sflag:s5], $0x400  }
0xa5: {  	[sflag:s5] =	ssyncset.done $0x0  }
0xa6: {  	[sflag:s5] =	ssyncadd.s32 $0xFFFFFC00  }
0xa7: {  	_ =	swait.ge [sflag:s5], $0x400  }
0xa8: {  	[sflag:s5] =	ssyncset.done $0x0  }
0xa9: {  	[sflag:s5] =	ssyncadd.s32 $0xFFFFFC00  }
0xaa: {  	_ =	swait.ge [sflag:s5], $0x400  }
0xab: {  	[sflag:s5] =	ssyncset.done $0x0  }
0xac: {  	[sflag:s5] =	ssyncadd.s32 $0xFFFFFC00  }
0xad: {  	_ =	swait.ge [sflag:s5], $0x400  }
0xae: {  	[sflag:s5] =	ssyncset.done $0x0  }
0xaf: {  	[sflag:s5] =	ssyncadd.s32 $0xFFFFFC00  }
0xb0: {  	_ =	swait.ge [sflag:s5], $0x400  }
0xb1: {  	[sflag:s5] =	ssyncset.done $0x0  }
0xb2: {  	[sflag:s5] =	ssyncadd.s32 $0xFFFFFC00  }
0xb3: {  	_ =	swait.ge [sflag:s5], $0x400  }
0xb4: {  	[sflag:s5] =	ssyncset.done $0x0  }
0xb5: {  	[sflag:s5] =	ssyncadd.s32 $0xFFFFFC00  }
0xb6: {  	_ =	swait.ge [sflag:s5], $0x400  }
0xb7: {  	[sflag:s5] =	ssyncset.done $0x0  }
0xb8: {  	[sflag:s5] =	ssyncadd.s32 $0xFFFFFC00  }
0xb9: {  	_ =	swait.ge [sflag:s5], $0x400  }
0xba: {  	[sflag:s5] =	ssyncset.done $0x0  }
0xbb: {  	[sflag:s5] =	ssyncadd.s32 $0xFFFFFC00  }
0xbc: {  	_ =	swait.ge [sflag:s5], $0x400  }
0xbd: {  	[sflag:s5] =	ssyncset.done $0x0  }
0xbe: {  	[sflag:s5] =	ssyncadd.s32 $0xFFFFFC00  }
0xbf: {  	_ =	swait.ge [sflag:s5], $0x400  }
0xc0: {  	p1 =	sne.s32 s1, $0x1;
	[sflag:s5] =	ssyncset.done $0x0  }
.Ltmp2:
0xc1: {  	[sflag:s5] =	ssyncadd.s32 $0xFFFFFC00;
	(pc) =	sbr.rel @p1 .LBB2_2-.Ltmp2, $4  }
0xc2: {  	_ =	swait.ge [sflag:s5], $0x400  }
0xc3: {  	[sflag:s5] =	ssyncset.done $0x0  }
0xc4: {  	s1 =	sadd.s32 $0xFFFFFFFF, s1;
	s10 =	rddreg [dreg:$0x4];
	[sflag:s5] =	ssyncadd.s32 $0xFFFFFC00  }
0xc5: {  	[hbm4b:s10+s2] =	stream.linear.scatter [tilespmem:s4], [sflag:$0x2], $0x4000, $0x38;
	[tilespmem:$0x4800] =	vst v63  }
.LBB2_3:
0xc6: {  	_ =	swait.ge @p0 [sflag:s3], $0x4000  }
0xc7: {  	[sflag:s3] =	ssyncset.done @p0 $0x0  }
0xc8: {  	s0 =	rddreg [dreg:$0x3];
	[sflag:s3] =	ssyncadd.s32 @p0 $0xFFFFC000  }
0xc9: {  	[tilespmem:s2], [sflag:$0x2] =	stream.linear.gather [hbm4b:s0+s2], $0x800, $0x38;
	[tilespmem:$0x4800] =	vst v63  }
0xca: {  	_ =	swait.ge [sflag:s3], $0x800  }
0xcb: {  	[sflag:s3] =	ssyncset.done $0x0;
	s10 =	rddreg [dreg:$0x5]  }
0xcc: {  	s0 =	rddreg [dreg:$0x6];
	[sflag:s3] =	ssyncadd.s32 $0xFFFFF800  }
0xcd: {  	[tilespmem:s4], [sflag:$0x1] =	stream.indirect.gather [hbm4b:s6+s7], $0x8, s2, s7, $0xb8;
	[tilespmem:$0x4800] =	vst v63  }
0xce: {  	s1 =	rddreg [dreg:$0x7]  }
0xcf: {  	[tilespmem:s10], [sflag:$0x1] =	stream.indirect.gather [hbm4b:s6+s7], $0x8, s7, s7, $0xb8;
	[tilespmem:$0x4800] =	vst v63  }
0xd0: {  	s8 =	rddreg [dreg:$0x9]  }
0xd1: {  	[tilespmem:s1], [sflag:$0x1] =	stream.indirect.gather [hbm4b:s6+s7], $0x8, s0, s7, $0xb8;
	[tilespmem:$0x4800] =	vst v63  }
0xd2: {  	s9 =	rddreg [dreg:$0x8]  }
0xd3: {  	[tilespmem:s8], [sflag:$0x1] =	stream.indirect.gather [hbm4b:s6+s7], $0x8, s9, s7, $0xb8;
	[tilespmem:$0x4800] =	vst v63  }
0xd4: {  	s10 =	simm.s32 $0x1800;
	s1 =	rddreg [dreg:$0xa]  }
0xd5: {  	[tilespmem:s10], [sflag:$0x1] =	stream.indirect.gather [hbm4b:s6+s7], $0x8, s1, s7, $0xb8;
	[tilespmem:$0x4800] =	vst v63  }
0xd6: {  	s9 =	simm.s32 $0x1C00;
	s10 =	simm.s32 $0x280  }
0xd7: {  	[tilespmem:s9], [sflag:$0x1] =	stream.indirect.gather [hbm4b:s6+s7], $0x8, s10, s7, $0xb8;
	[tilespmem:$0x4800] =	vst v63  }
0xd8: {  	_ = 	snop  }
0xd9: {  	[tilespmem:s12], [sflag:$0x1] =	stream.indirect.gather [hbm4b:s6+s7], $0x8, s11, s7, $0xb8;
	[tilespmem:$0x4800] =	vst v63  }
0xda: {  	_ = 	snop  }
0xdb: {  	[tilespmem:s14], [sflag:$0x1] =	stream.indirect.gather [hbm4b:s6+s7], $0x8, s13, s7, $0xb8;
	[tilespmem:$0x4800] =	vst v63  }
0xdc: {  	_ = 	snop  }
0xdd: {  	[tilespmem:s16], [sflag:$0x1] =	stream.indirect.gather [hbm4b:s6+s7], $0x8, s15, s7, $0xb8;
	[tilespmem:$0x4800] =	vst v63  }
0xde: {  	_ = 	snop  }
0xdf: {  	[tilespmem:s18], [sflag:$0x1] =	stream.indirect.gather [hbm4b:s6+s7], $0x8, s17, s7, $0xb8;
	[tilespmem:$0x4800] =	vst v63  }
0xe0: {  	_ = 	snop  }
0xe1: {  	[tilespmem:s20], [sflag:$0x1] =	stream.indirect.gather [hbm4b:s6+s7], $0x8, s19, s7, $0xb8;
	[tilespmem:$0x4800] =	vst v63  }
0xe2: {  	_ = 	snop  }
0xe3: {  	[tilespmem:s22], [sflag:$0x1] =	stream.indirect.gather [hbm4b:s6+s7], $0x8, s21, s7, $0xb8;
	[tilespmem:$0x4800] =	vst v63  }
0xe4: {  	_ = 	snop  }
0xe5: {  	[tilespmem:s24], [sflag:$0x1] =	stream.indirect.gather [hbm4b:s6+s7], $0x8, s23, s7, $0xb8;
	[tilespmem:$0x4800] =	vst v63  }
0xe6: {  	_ = 	snop  }
0xe7: {  	[tilespmem:s26], [sflag:$0x1] =	stream.indirect.gather [hbm4b:s6+s7], $0x8, s25, s7, $0xb8;
	[tilespmem:$0x4800] =	vst v63  }
0xe8: {  	_ = 	snop  }
0xe9: {  	[tilespmem:s29], [sflag:$0x1] =	stream.indirect.gather [hbm4b:s6+s7], $0x8, s28, s7, $0xb8;
	[tilespmem:$0x4800] =	vst v63  }
0xea: {  	_ = 	snop  }
0xeb: {  	[tilespmem:s31], [sflag:$0x1] =	stream.indirect.gather [hbm4b:s6+s7], $0x8, s30, s7, $0xb8;
	[tilespmem:$0x4800] =	vst v63  }
0xec: {  	_ =	swait.ge [sflag:s5], $0x400  }
0xed: {  	[sflag:s5] =	ssyncset.done $0x0  }
0xee: {  	[sflag:s5] =	ssyncadd.s32 $0xFFFFFC00  }
0xef: {  	_ =	swait.ge [sflag:s5], $0x400  }
0xf0: {  	[sflag:s5] =	ssyncset.done $0x0  }
0xf1: {  	[sflag:s5] =	ssyncadd.s32 $0xFFFFFC00  }
0xf2: {  	_ =	swait.ge [sflag:s5], $0x400  }
0xf3: {  	[sflag:s5] =	ssyncset.done $0x0  }
0xf4: {  	[sflag:s5] =	ssyncadd.s32 $0xFFFFFC00  }
0xf5: {  	_ =	swait.ge [sflag:s5], $0x400  }
0xf6: {  	[sflag:s5] =	ssyncset.done $0x0  }
0xf7: {  	[sflag:s5] =	ssyncadd.s32 $0xFFFFFC00  }
0xf8: {  	_ =	swait.ge [sflag:s5], $0x400  }
0xf9: {  	[sflag:s5] =	ssyncset.done $0x0  }
0xfa: {  	[sflag:s5] =	ssyncadd.s32 $0xFFFFFC00  }
0xfb: {  	_ =	swait.ge [sflag:s5], $0x400  }
0xfc: {  	[sflag:s5] =	ssyncset.done $0x0  }
0xfd: {  	[sflag:s5] =	ssyncadd.s32 $0xFFFFFC00  }
0xfe: {  	_ =	swait.ge [sflag:s5], $0x400  }
0xff: {  	[sflag:s5] =	ssyncset.done $0x0  }
0x100: {  	[sflag:s5] =	ssyncadd.s32 $0xFFFFFC00  }
0x101: {  	_ =	swait.ge [sflag:s5], $0x400  }
0x102: {  	[sflag:s5] =	ssyncset.done $0x0  }
0x103: {  	[sflag:s5] =	ssyncadd.s32 $0xFFFFFC00  }
0x104: {  	_ =	swait.ge [sflag:s5], $0x400  }
0x105: {  	[sflag:s5] =	ssyncset.done $0x0  }
0x106: {  	[sflag:s5] =	ssyncadd.s32 $0xFFFFFC00  }
0x107: {  	_ =	swait.ge [sflag:s5], $0x400  }
0x108: {  	[sflag:s5] =	ssyncset.done $0x0  }
0x109: {  	[sflag:s5] =	ssyncadd.s32 $0xFFFFFC00  }
0x10a: {  	_ =	swait.ge [sflag:s5], $0x400  }
0x10b: {  	[sflag:s5] =	ssyncset.done $0x0  }
0x10c: {  	[sflag:s5] =	ssyncadd.s32 $0xFFFFFC00  }
0x10d: {  	_ =	swait.ge [sflag:s5], $0x400  }
0x10e: {  	[sflag:s5] =	ssyncset.done $0x0  }
0x10f: {  	[sflag:s5] =	ssyncadd.s32 $0xFFFFFC00  }
0x110: {  	_ =	swait.ge [sflag:s5], $0x400  }
0x111: {  	[sflag:s5] =	ssyncset.done $0x0  }
0x112: {  	[sflag:s5] =	ssyncadd.s32 $0xFFFFFC00  }
0x113: {  	_ =	swait.ge [sflag:s5], $0x400  }
0x114: {  	[sflag:s5] =	ssyncset.done $0x0  }
0x115: {  	[sflag:s5] =	ssyncadd.s32 $0xFFFFFC00  }
0x116: {  	_ =	swait.ge [sflag:s5], $0x400  }
0x117: {  	[sflag:s5] =	ssyncset.done $0x0  }
0x118: {  	[sflag:s5] =	ssyncadd.s32 $0xFFFFFC00  }
0x119: {  	_ =	swait.ge [sflag:s5], $0x400  }
0x11a: {  	[sflag:s5] =	ssyncset.done $0x0  }
0x11b: {  	s30 =	rddreg [dreg:$0x4];
	[sflag:s5] =	ssyncadd.s32 $0xFFFFFC00  }
0x11c: {  	[hbm4b:s30+s2] =	stream.linear.scatter [tilespmem:s4], [sflag:$0x2], $0x4000, $0x38;
	[tilespmem:$0x4800] =	vst v63  }
0x11d: {  	_ =	swait.ge [sflag:s3], $0x4000  }
0x11e: {  	[sflag:s3] =	ssyncset.done $0x0  }
0x11f: {  	[sflag:s3] =	ssyncadd.s32 $0xFFFFC000  }
0x120: {  	_ =	sfence.sel $0x180000  }
0x121: {  	[bflag:$0x0] =	sbarrier.arrive $0xFFFF  }
0x122: {  	_ =	strace $0x90000047  }
0x123: {  	s31 =	stileid.u32;
	[bflag:$0x2] =	sbarrier.arrive $0xFFFF  }
0x124: {  	p0 =	sne.s32 s31, $0x0;
	s0 =	rddreg [dreg:$0x2]  }
0x125: {  	s0 =	sadd.s32 @!p0 $0x100000, s0  }
0x126: {  	[sflag:s0] =	ssyncadd.tile.s32 @!p0 $0x1;
	_ =	shalt  }
.Lfunc_end2:
_tile_overlayer_lowered:
.L_overlay_start_2:
0x127: {  	(tag) =	ssettag $0x2  }
0x128: {  	s0 =	rddreg [dreg:$0x0];
	s2 =	stileid.u32  }
0x129: {  	s1 =	rddreg [dreg:$0x1];
	p0 =	sne.s32 s2, $0x0  }
0x12a: {  	s3 =	rddreg [dreg:$0x2];
	[bflag:$0x3] =	sbarrier.arrive $0xFFFF;
	s2 =	simm.s32 @!p0 $0x1C02  }
0x12b: {  	[timem:s3], [sflag:s2] =	dma.local @!p0 [hbm:s0], s1  }
0x12c: {  	s0 =	simm.s32 @!p0 $0x2  }
0x12d: {  	_ =	swait.ge @!p0 [sflag:s0], s1  }
0x12e: {  	s1 =	ssub.s32 @!p0 $0x0, s1;
	[sflag:s0] =	ssyncset.done @!p0 $0x0  }
0x12f: {  	[sflag:s0] =	ssyncadd.s32 @!p0 s1  }
0x130: {  	[bflag:$0x3] =	sbarrier.arrive $0xFFFF  }
0x131: {  	_ =	shalt  }

</sc_bundles>
